<compile_context>
chip_gen: v7x
topology: tpu7x:2x2x1
jax: 0.10.2.dev20260603
libtpu: 0.0.44.dev20260713+nightly
codegen_flags: <defaults>
</compile_context>

<pallas_src>
import functools

import jax
import jax.numpy as jnp
from jax import lax
from jax.experimental import pallas as pl
from jax.experimental.pallas import tpu as pltpu
from jax.experimental.pallas import tpu_sc as plsc

L = 50000
D = 128
DH = 16
NW = 32
LP = 50176
T = 7168
G = LP // T
PHASES = (2, 2, 2, 1)


def _pick_cb(bpw):
    for d in range(min(bpw, 256), 0, -16):
        if bpw % d == 0 and (d // 2) % 8 == 0 and d // 2 <= 128:
            return d
    raise ValueError(bpw)


def _sc_gather(table, idx, offt, nt):
    mesh = plsc.VectorSubcoreMesh(core_axis_name="c", subcore_axis_name="s")
    bpw = nt * T // NW
    cb = _pick_cb(bpw)
    ch_rows = cb // 2
    nsteps = bpw // cb
    off = offt * T

    @functools.partial(
        pl.kernel,
        out_type=jax.ShapeDtypeStruct((nt * T, D), jnp.float32),
        mesh=mesh,
        scratch_types=[
            pltpu.VMEM((bpw,), jnp.int32),
            pltpu.VMEM((cb, D), jnp.float32),
            pltpu.VMEM((cb, D), jnp.float32),
            pltpu.SemaphoreType.DMA,
            pltpu.SemaphoreType.DMA,
            pltpu.SemaphoreType.DMA,
            pltpu.SemaphoreType.DMA,
        ],
    )
    def k(table_hbm, idx_hbm, out_hbm, idx_v, rows0, rows1,
          sem0, sem1, osem0, osem1):
        wid = lax.axis_index("s") * 2 + lax.axis_index("c")
        base = wid * bpw
        pltpu.sync_copy(idx_hbm.at[pl.ds(off + base, bpw)], idx_v)
        rows = (rows0, rows1)
        sems = (sem0, sem1)
        osems = (osem0, osem1)

        def fire(step, buf):
            hnds = []
            for h in range(2):
                hnds.append(pltpu.async_copy(
                    table_hbm.at[idx_v.at[pl.ds(step * cb + h * ch_rows,
                                                ch_rows)]],
                    rows[buf].at[pl.ds(h * ch_rows, ch_rows)],
                    sems[buf]))
            return hnds

        pend_g = fire(0, 0)
        pend_o = [None, None]
        for c in range(nsteps):
            b = c & 1
            nb = (c + 1) & 1
            if c + 1 < nsteps:
                if pend_o[nb] is not None:
                    pend_o[nb].wait()
                    pend_o[nb] = None
                nxt = fire(c + 1, nb)
            for h in pend_g:
                h.wait()
            pend_o[b] = pltpu.async_copy(
                rows[b], out_hbm.at[pl.ds(base + c * cb, cb)], osems[b])
            if c + 1 < nsteps:
                pend_g = nxt
        for b in range(2):
            if pend_o[b] is not None:
                pend_o[b].wait()

    return k(table, idx)


def _shift1(x, carry):
    r = pltpu.roll(x, shift=1, axis=0)
    li = lax.broadcasted_iota(jnp.int32, x.shape, 0)
    return jnp.where(li == 0, carry, r)


def _make_phase_body(offt, nt, first, last):
    def body(hs_ref, accin_ref, chin_ref, wprev_ref, wcur_ref,
             w1212_ref, b1212_ref, *rest):
        if last:
            (w13_ref, w21_ref, w22_ref, w23_ref, bs3_ref, b13_ref,
             b21_ref, b22_ref, b23_ref, gwp_ref,
             accout_ref, chout_ref, of_ref, os_ref, ow_ref, acc12, ch) = rest
        else:
            accout_ref, chout_ref, acc12, ch = rest
        t = pl.program_id(0)

        @pl.when(t == 0)
        def _init():
            acc12[...] = accin_ref[...]
            ch[...] = chin_ref[...].astype(jnp.bfloat16)

        hs = hs_ref[...]
        hs_b = hs.astype(jnp.bfloat16)
        hs_prev_b = _shift1(hs_b, ch[...])
        ch[...] = hs_b[-1:, :]

        ppe = jnp.dot(hs_prev_b, wprev_ref[...],
                      preferred_element_type=jnp.float32)
        p_prev = ppe[:, :D]
        q_prev = ppe[:, D:2 * D]
        e_prev = ppe[:, 2 * D:]
        qe = jnp.dot(hs_b, wcur_ref[...], preferred_element_type=jnp.float32)
        q = qe[:, :D]
        e_cur = qe[:, D:]
        el = jnp.maximum(e_cur, 0.2 * e_cur)
        el_prev = jnp.maximum(e_prev, 0.2 * e_prev)

        a = 1.0 / (1.0 + jnp.exp(el - el_prev))
        msg = q + a * (q_prev - q)

        rin = jnp.concatenate([hs + p_prev, msg],
                              axis=1).astype(jnp.bfloat16)
        r12 = jnp.maximum(
            jnp.dot(rin, w1212_ref[...], preferred_element_type=jnp.float32)
            + b1212_ref[...], 0.0)

        edge = None
        if first and nt == 1:
            edge = (t == 0)
        elif first:
            edge = (t == 0)
        if last:
            e2 = (t == nt - 1)
            edge = e2 if edge is None else (edge | e2)

        if edge is None:
            acc12[...] += jnp.sum(r12, axis=0, keepdims=True)
        else:
            @pl.when(jnp.logical_not(edge))
            def _mid():
                acc12[...] += jnp.sum(r12, axis=0, keepdims=True)

            @pl.when(edge)
            def _edge():
                row = (offt + t) * T + lax.broadcasted_iota(
                    jnp.int32, (T, 1), 0)
                r1m = jnp.where(row < L, r12[:, :D], 0.0)
                r2m = jnp.where((row >= 1) & (row <= L - 1), r12[:, D:], 0.0)
                acc12[:, :D] += jnp.sum(r1m, axis=0, keepdims=True)
                acc12[:, D:] += jnp.sum(r2m, axis=0, keepdims=True)

        @pl.when(t == nt - 1)
        def _fin():
            accout_ref[...] = acc12[...]
            chout_ref[...] = ch[...].astype(jnp.float32)
            if last:
                m1 = acc12[:, :D] * (1.0 / L)
                m2 = acc12[:, D:] * (1.0 / (L - 1))
                rep1 = jnp.dot(m1, w21_ref[...],
                               preferred_element_type=jnp.float32) + b21_ref[...]
                rep2 = jnp.dot(m2, w22_ref[...],
                               preferred_element_type=jnp.float32) + b22_ref[...]
                h3 = jnp.maximum(
                    jnp.dot(bs3_ref[...], w13_ref[...],
                            preferred_element_type=jnp.float32)
                    + b13_ref[...], 0.0)
                rep3 = jnp.dot(h3, w23_ref[...],
                               preferred_element_type=jnp.float32) + b23_ref[...]
                gwp = gwp_ref[...]
                ew = jnp.exp(gwp - jnp.max(gwp))
                wv = ew / jnp.sum(ew)
                fused = (wv[:, 0:1] * rep1 + wv[:, 1:2] * rep2
                         + wv[:, 2:3] * rep3)
                of_ref[...] = fused
                os_ref[0:1, :] = rep1
                os_ref[1:2, :] = rep2
                os_ref[2:3, :] = rep3
                ow_ref[...] = wv

    return body


def _dense_phase(hs_k, acc, chv, proj, ro, offt, nt, first, last):
    full = lambda shape: pl.BlockSpec(shape, lambda t: (0, 0))
    v = full((1, D))
    in_specs = [
        pl.BlockSpec((T, D), lambda t: (t, 0)),
        full((1, 2 * D)),
        v,
        full((D, 3 * D)),
        full((D, 2 * D)),
        full((2 * D, 2 * D)),
        full((1, 2 * D)),
    ]
    args = (hs_k, acc, chv) + proj
    out_specs = [full((1, 2 * D)), v]
    out_shape = [jax.ShapeDtypeStruct((1, 2 * D), jnp.float32),
                 jax.ShapeDtypeStruct((1, D), jnp.float32)]
    if last:
        in_specs += [
            full((D, D)),
            full((D, D)), full((D, D)), full((D, D)),
            v,
            v,
            v, v, v,
            v,
        ]
        args += ro
        out_specs += [v, full((3, D)), v]
        out_shape += [jax.ShapeDtypeStruct((1, D), jnp.float32),
                      jax.ShapeDtypeStruct((3, D), jnp.float32),
                      jax.ShapeDtypeStruct((1, D), jnp.float32)]
    return pl.pallas_call(
        _make_phase_body(offt, nt, first, last),
        grid=(nt,),
        in_specs=in_specs,
        out_specs=out_specs,
        out_shape=out_shape,
        scratch_shapes=[pltpu.VMEM((1, 2 * D), jnp.float32),
                        pltpu.VMEM((1, D), jnp.bfloat16)],
        compiler_params=pltpu.CompilerParams(
            dimension_semantics=("arbitrary",)),
    )(*args)


def kernel(items, params):
    idxp = jnp.pad(items, (0, LP - L))

    gidx = jnp.arange(D, dtype=jnp.int32) // DH
    bones = (gidx[:, None] == gidx[None, :]).astype(jnp.float32)
    wel = jnp.dot(params['W_up1'] * params['al_up1'].reshape(1, D), bones)
    wprev = jnp.concatenate([params['W_seq1'], params['W_up1'], wel],
                            axis=1).astype(jnp.bfloat16)
    wcur = jnp.concatenate([params['W_up1'], wel],
                           axis=1).astype(jnp.bfloat16)
    z = jnp.zeros((D, D), jnp.float32)
    w1212 = jnp.block([[params['ro1_W1'], z],
                       [z, params['ro2_W1']]]).astype(jnp.bfloat16)
    bsum1 = params['b_seq1'] + params['b_down1']
    bsum2 = params['b_seq2'] + params['b_down2'] + params['b_up1']
    b1212 = jnp.concatenate(
        [jnp.dot(bsum1, params['ro1_W1']) + params['ro1_b1'],
         jnp.dot(bsum2, params['ro2_W1']) + params['ro2_b1']]).reshape(1, 2 * D)
    r = lambda x: x.reshape(1, D)
    proj = (wprev, wcur, w1212, b1212)
    ro = (params['ro3_W1'],
          params['ro1_W2'], params['ro2_W2'], params['ro3_W2'],
          r(params['b_seq3'] + params['b_up2']),
          r(params['ro3_b1']),
          r(params['ro1_b2']), r(params['ro2_b2']), r(params['ro3_b2']),
          jnp.concatenate([params['gw'],
                           jnp.full((D - 3,), -jnp.inf, jnp.float32)]
                          ).reshape(1, D))

    segs = []
    offt = 0
    for nt in PHASES:
        segs.append((offt, nt))
        offt += nt
    hs_parts = [_sc_gather(params['emb'],
                           idxp if (o + n) * T > L else items, o, n)
                for o, n in segs]

    acc = jnp.zeros((1, 2 * D), jnp.float32)
    chv = jnp.zeros((1, D), jnp.float32)
    for k_i, (o, n) in enumerate(segs):
        res = _dense_phase(hs_parts[k_i], acc, chv, proj, ro, o, n,
                           first=(k_i == 0), last=(k_i == len(segs) - 1))
        acc, chv = res[0], res[1]
    of, os_, ow = res[2], res[3], res[4]
    return of.reshape(D), os_, ow[0, :3]

# --- scband reference (transcript-rebuilt; emitter-appended) ---
"""Pipeline reference for scband-hierarchical-session-graph-13915694039215 (READ-ONLY COPY).

The authoritative reference and input builder live on the scoring server;
editing this copy changes nothing except your own understanding.
"""

import jax, jax.numpy as jnp
import numpy as np

L = 50000
NUM_ITEMS = 100000
D = 128
HID = 128
H = 8
DH = HID // H
MAXG = 3
ETYPES = ['seq1', 'seq2', 'seq3', 'up1', 'up2', 'down1', 'down2']


def _init_params(key):
    params = {}
    ks = jax.random.split(key, 64)
    ki = [0]

    def nxt():
        k = ks[ki[0]]
        ki[0] += 1
        return k

    params['emb'] = jax.random.normal(nxt(), (NUM_ITEMS, D), dtype=jnp.float32) * 0.02
    for name in ETYPES:
        params['W_' + name] = jax.random.normal(nxt(), (D, HID), dtype=jnp.float32) / np.sqrt(D)
        params['al_' + name] = jax.random.normal(nxt(), (H, DH), dtype=jnp.float32) * 0.1
        params['ar_' + name] = jax.random.normal(nxt(), (H, DH), dtype=jnp.float32) * 0.1
        params['b_' + name] = jnp.zeros((HID,), dtype=jnp.float32)
    for g in range(1, MAXG + 1):
        params['ro%d_W1' % g] = jax.random.normal(nxt(), (HID, HID), dtype=jnp.float32) / np.sqrt(HID)
        params['ro%d_b1' % g] = jnp.zeros((HID,), dtype=jnp.float32)
        params['ro%d_W2' % g] = jax.random.normal(nxt(), (HID, D), dtype=jnp.float32) / np.sqrt(HID)
        params['ro%d_b2' % g] = jnp.zeros((D,), dtype=jnp.float32)
    params['gw'] = jnp.ones((MAXG,), dtype=jnp.float32)
    return params


def _gat(h_src, h_dst, src, dst, W, al, ar, b, residual):
    # DGL-style GATConv (eval mode, LeakyReLU slope 0.2, edge softmax over dst)
    n_dst = h_dst.shape[0]
    fs = (h_src @ W).reshape(-1, H, DH)
    fd = (h_dst @ W).reshape(-1, H, DH)
    el = jnp.sum(fs * al[None, :, :], axis=-1)
    er = jnp.sum(fd * ar[None, :, :], axis=-1)
    e = el[src] + er[dst]
    e = jnp.where(e > 0, e, 0.2 * e)
    m = jax.ops.segment_max(e, dst, num_segments=n_dst)
    m = jnp.where(jnp.isfinite(m), m, 0.0)
    ee = jnp.exp(e - m[dst])
    s = jax.ops.segment_sum(ee, dst, num_segments=n_dst)
    alpha = ee / jnp.maximum(s[dst], 1e-9)
    msg = (alpha[:, :, None] * fs[src]).reshape(src.shape[0], HID)
    rst = jax.ops.segment_sum(msg, dst, num_segments=n_dst) + b
    if residual:
        rst = rst + h_dst
    return rst


def _forward(params, items):
    Lc = items.shape[0]
    hs = {1: params['emb'][items],
          2: jnp.zeros((Lc - 1, D), jnp.float32),
          3: jnp.zeros((Lc - 2, D), jnp.float32)}
    outs = {}
    # intra-granularity sequential (chain) GAT convs, residual=True
    for g in range(1, MAXG + 1):
        n = Lc - g + 1
        src = jnp.arange(n - 1)
        dst = jnp.arange(1, n)
        nm = 'seq%d' % g
        outs[g] = _gat(hs[g], hs[g], src, dst, params['W_' + nm], params['al_' + nm], params['ar_' + nm], params['b_' + nm], True)
    # cross-granularity up/down convs, residual=False
    for g in range(1, MAXG):
        i = jnp.arange(Lc - g)
        pair = jnp.stack([i, i + 1], axis=1).reshape(-1)
        rep = jnp.repeat(i, 2)
        nm = 'up%d' % g
        outs[g + 1] = outs[g + 1] + _gat(hs[g], hs[g + 1], pair, rep, params['W_' + nm], params['al_' + nm], params['ar_' + nm], params['b_' + nm], False)
        nm = 'down%d' % g
        outs[g] = outs[g] + _gat(hs[g + 1], hs[g], rep, pair, params['W_' + nm], params['al_' + nm], params['ar_' + nm], params['b_' + nm], False)
    reprs = []
    for g in range(1, MAXG + 1):
        r = jnp.maximum(outs[g] @ params['ro%d_W1' % g] + params['ro%d_b1' % g], 0.0)
        r = r @ params['ro%d_W2' % g] + params['ro%d_b2' % g]
        reprs.append(jnp.mean(r, axis=0))
    stack = jnp.stack(reprs, axis=0)
    w = jax.nn.softmax(params['gw'])
    fused = jnp.sum(stack * w[:, None], axis=0)
    return fused, stack, w


def setup_inputs(seed: int = 0):
    key = jax.random.key(seed)
    k1, k2 = jax.random.split(key)
    items = jax.random.randint(k1, (L,), 0, NUM_ITEMS, dtype=jnp.int32)
    params = _init_params(k2)
    return {'items': items, 'params': params}


def reference(items, params):
    return _forward(params, items)

if __name__ == "__main__":
    import jax
    _d = setup_inputs()
    print(jax.jit(kernel)(*tuple(_d.values())))

</pallas_src>

<mosaic_0001>
#map = affine_map<(d0, d1) -> (0, 0)>
#map1 = affine_map<(d0, d1) -> (0)>
module attributes {stable_mosaic.version = 14 : i64} {
  func.func @k(%arg0: i32, %arg1: i32, %arg2: memref<100000x128xf32, #tpu.memory_space<hbm>>, %arg3: memref<50000xi32, #tpu.memory_space<hbm>>, %arg4: memref<14336x128xf32, #tpu.memory_space<hbm>>, %arg5: memref<448xi32, #tpu.memory_space<vmem>>, %arg6: memref<224x128xf32, #tpu.memory_space<vmem>>, %arg7: memref<224x128xf32, #tpu.memory_space<vmem>>, %arg8: memref<!tpu.dma_semaphore, #tpu.memory_space<semaphore_mem>>, %arg9: memref<!tpu.dma_semaphore, #tpu.memory_space<semaphore_mem>>, %arg10: memref<!tpu.dma_semaphore, #tpu.memory_space<semaphore_mem>>, %arg11: memref<!tpu.dma_semaphore, #tpu.memory_space<semaphore_mem>>) attributes {dimension_semantics = [#tpu.dimension_semantics<core_parallel>, #tpu.dimension_semantics<subcore_parallel>], iteration_bounds = array<i64: 2, 16>, scalar_prefetch = 0 : i64, scratch_operands = 7 : i64, tpu.core_type = #tpu.core_type<sc_vector_subcore>, window_params = [{transform_indices = #map}, {transform_indices = #map1}, {transform_indices = #map}]} {
    %mul3A = arith.constant 2 : i32
    %mul3A_0 = arith.muli %arg1, %mul3A : i32
    %add3A = arith.addi %mul3A_0, %arg0 : i32
    %mul3A_1 = arith.constant 448 : i32
    %mul3A_2 = arith.muli %add3A, %mul3A_1 : i32
    %add3A_3 = arith.constant 28672 : i32
    %add3A_4 = arith.addi %add3A_3, %mul3A_2 : i32
    "tpu.region"() ({
      %run_scoped3A = tpu.sem_alloc : memref<!tpu.dma_semaphore, #tpu.memory_space<semaphore_mem>>
      %dma_start3A_87 = tpu.memref_slice %arg3[%add3A_4] : memref<50000xi32, #tpu.memory_space<hbm>> -> memref<448xi32, #tpu.memory_space<hbm>>
      %dma_start3A_88 = tpu.memref_slice %arg3[%add3A_4] : memref<50000xi32, #tpu.memory_space<hbm>> -> memref<448xi32, #tpu.memory_space<hbm>>
      tpu.enqueue_dma source(%dma_start3A_88 : memref<448xi32, #tpu.memory_space<hbm>>) target(%arg5 : memref<448xi32, #tpu.memory_space<vmem>>) target_semaphore(%run_scoped3A : memref<!tpu.dma_semaphore, #tpu.memory_space<semaphore_mem>>)
      %dma_wait3A_89 = tpu.memref_slice %arg3[%add3A_4] : memref<50000xi32, #tpu.memory_space<hbm>> -> memref<448xi32, #tpu.memory_space<hbm>>
      %dma_wait3A_90 = tpu.memref_slice %arg3[%add3A_4] : memref<50000xi32, #tpu.memory_space<hbm>> -> memref<448xi32, #tpu.memory_space<hbm>>
      tpu.wait_dma2 semaphore(%run_scoped3A : memref<!tpu.dma_semaphore, #tpu.memory_space<semaphore_mem>>) src(%dma_wait3A_90 : memref<448xi32, #tpu.memory_space<hbm>>) dst(%arg5 : memref<448xi32, #tpu.memory_space<vmem>>)
      tpu.yield
    }) : () -> ()
    %dma_start3A = arith.constant 0 : i32
    %dma_start3A_5 = arith.constant 0 : i32
    %dma_start3A_6 = tpu.memref_slice %arg6[%dma_start3A, %dma_start3A_5] : memref<224x128xf32, #tpu.memory_space<vmem>> -> memref<112x128xf32, #tpu.memory_space<vmem>>
    %dma_start3A_7 = arith.constant 0 : i32
    %dma_start3A_8 = tpu.memref_slice %arg5[%dma_start3A_7] : memref<448xi32, #tpu.memory_space<vmem>> -> memref<112xi32, #tpu.memory_space<vmem>>
    %dma_start3A_9 = arith.constant 0 : i32
    %dma_start3A_10 = arith.constant 0 : i32
    %dma_start3A_11 = tpu.memref_slice %arg2[%dma_start3A_9, %dma_start3A_10] : memref<100000x128xf32, #tpu.memory_space<hbm>> -> memref<100000x128xf32, #tpu.memory_space<hbm>>
    tpu.enqueue_indirect_dma source(%dma_start3A_11 : memref<100000x128xf32, #tpu.memory_space<hbm>>) target(%dma_start3A_6 : memref<112x128xf32, #tpu.memory_space<vmem>>) offsets(%dma_start3A_8 : memref<112xi32, #tpu.memory_space<vmem>>) semaphore(%arg8 : memref<!tpu.dma_semaphore, #tpu.memory_space<semaphore_mem>>)
    %dma_start3A_12 = arith.constant 112 : i32
    %dma_start3A_13 = arith.constant 0 : i32
    %dma_start3A_14 = tpu.memref_slice %arg6[%dma_start3A_12, %dma_start3A_13] : memref<224x128xf32, #tpu.memory_space<vmem>> -> memref<112x128xf32, #tpu.memory_space<vmem>>
    %dma_start3A_15 = arith.constant 112 : i32
    %dma_start3A_16 = tpu.memref_slice %arg5[%dma_start3A_15] : memref<448xi32, #tpu.memory_space<vmem>> -> memref<112xi32, #tpu.memory_space<vmem>>
    %dma_start3A_17 = arith.constant 0 : i32
    %dma_start3A_18 = arith.constant 0 : i32
    %dma_start3A_19 = tpu.memref_slice %arg2[%dma_start3A_17, %dma_start3A_18] : memref<100000x128xf32, #tpu.memory_space<hbm>> -> memref<100000x128xf32, #tpu.memory_space<hbm>>
    tpu.enqueue_indirect_dma source(%dma_start3A_19 : memref<100000x128xf32, #tpu.memory_space<hbm>>) target(%dma_start3A_14 : memref<112x128xf32, #tpu.memory_space<vmem>>) offsets(%dma_start3A_16 : memref<112xi32, #tpu.memory_space<vmem>>) semaphore(%arg8 : memref<!tpu.dma_semaphore, #tpu.memory_space<semaphore_mem>>)
    %dma_start3A_20 = arith.constant 0 : i32
    %dma_start3A_21 = arith.constant 0 : i32
    %dma_start3A_22 = tpu.memref_slice %arg7[%dma_start3A_20, %dma_start3A_21] : memref<224x128xf32, #tpu.memory_space<vmem>> -> memref<112x128xf32, #tpu.memory_space<vmem>>
    %dma_start3A_23 = arith.constant 224 : i32
    %dma_start3A_24 = tpu.memref_slice %arg5[%dma_start3A_23] : memref<448xi32, #tpu.memory_space<vmem>> -> memref<112xi32, #tpu.memory_space<vmem>>
    %dma_start3A_25 = arith.constant 0 : i32
    %dma_start3A_26 = arith.constant 0 : i32
    %dma_start3A_27 = tpu.memref_slice %arg2[%dma_start3A_25, %dma_start3A_26] : memref<100000x128xf32, #tpu.memory_space<hbm>> -> memref<100000x128xf32, #tpu.memory_space<hbm>>
    tpu.enqueue_indirect_dma source(%dma_start3A_27 : memref<100000x128xf32, #tpu.memory_space<hbm>>) target(%dma_start3A_22 : memref<112x128xf32, #tpu.memory_space<vmem>>) offsets(%dma_start3A_24 : memref<112xi32, #tpu.memory_space<vmem>>) semaphore(%arg9 : memref<!tpu.dma_semaphore, #tpu.memory_space<semaphore_mem>>)
    %dma_start3A_28 = arith.constant 112 : i32
    %dma_start3A_29 = arith.constant 0 : i32
    %dma_start3A_30 = tpu.memref_slice %arg7[%dma_start3A_28, %dma_start3A_29] : memref<224x128xf32, #tpu.memory_space<vmem>> -> memref<112x128xf32, #tpu.memory_space<vmem>>
    %dma_start3A_31 = arith.constant 336 : i32
    %dma_start3A_32 = tpu.memref_slice %arg5[%dma_start3A_31] : memref<448xi32, #tpu.memory_space<vmem>> -> memref<112xi32, #tpu.memory_space<vmem>>
    %dma_start3A_33 = arith.constant 0 : i32
    %dma_start3A_34 = arith.constant 0 : i32
    %dma_start3A_35 = tpu.memref_slice %arg2[%dma_start3A_33, %dma_start3A_34] : memref<100000x128xf32, #tpu.memory_space<hbm>> -> memref<100000x128xf32, #tpu.memory_space<hbm>>
    tpu.enqueue_indirect_dma source(%dma_start3A_35 : memref<100000x128xf32, #tpu.memory_space<hbm>>) target(%dma_start3A_30 : memref<112x128xf32, #tpu.memory_space<vmem>>) offsets(%dma_start3A_32 : memref<112xi32, #tpu.memory_space<vmem>>) semaphore(%arg9 : memref<!tpu.dma_semaphore, #tpu.memory_space<semaphore_mem>>)
    %dma_wait3A = arith.constant 0 : i32
    %dma_wait3A_36 = arith.constant 0 : i32
    %dma_wait3A_37 = tpu.memref_slice %arg6[%dma_wait3A, %dma_wait3A_36] : memref<224x128xf32, #tpu.memory_space<vmem>> -> memref<112x128xf32, #tpu.memory_space<vmem>>
    %dma_wait3A_38 = arith.constant 0 : i32
    %dma_wait3A_39 = tpu.memref_slice %arg5[%dma_wait3A_38] : memref<448xi32, #tpu.memory_space<vmem>> -> memref<112xi32, #tpu.memory_space<vmem>>
    %dma_wait3A_40 = arith.constant 0 : i32
    %dma_wait3A_41 = arith.constant 0 : i32
    %dma_wait3A_42 = tpu.memref_slice %arg2[%dma_wait3A_40, %dma_wait3A_41] : memref<100000x128xf32, #tpu.memory_space<hbm>> -> memref<100000x128xf32, #tpu.memory_space<hbm>>
    tpu.wait_indirect_dma semaphore(%arg8 : memref<!tpu.dma_semaphore, #tpu.memory_space<semaphore_mem>>) src(%dma_wait3A_42 : memref<100000x128xf32, #tpu.memory_space<hbm>>) dst(%dma_wait3A_37 : memref<112x128xf32, #tpu.memory_space<vmem>>)
    %dma_wait3A_43 = arith.constant 112 : i32
    %dma_wait3A_44 = arith.constant 0 : i32
    %dma_wait3A_45 = tpu.memref_slice %arg6[%dma_wait3A_43, %dma_wait3A_44] : memref<224x128xf32, #tpu.memory_space<vmem>> -> memref<112x128xf32, #tpu.memory_space<vmem>>
    %dma_wait3A_46 = arith.constant 112 : i32
    %dma_wait3A_47 = tpu.memref_slice %arg5[%dma_wait3A_46] : memref<448xi32, #tpu.memory_space<vmem>> -> memref<112xi32, #tpu.memory_space<vmem>>
    %dma_wait3A_48 = arith.constant 0 : i32
    %dma_wait3A_49 = arith.constant 0 : i32
    %dma_wait3A_50 = tpu.memref_slice %arg2[%dma_wait3A_48, %dma_wait3A_49] : memref<100000x128xf32, #tpu.memory_space<hbm>> -> memref<100000x128xf32, #tpu.memory_space<hbm>>
    tpu.wait_indirect_dma semaphore(%arg8 : memref<!tpu.dma_semaphore, #tpu.memory_space<semaphore_mem>>) src(%dma_wait3A_50 : memref<100000x128xf32, #tpu.memory_space<hbm>>) dst(%dma_wait3A_45 : memref<112x128xf32, #tpu.memory_space<vmem>>)
    %add3A_51 = arith.constant 0 : i32
    %add3A_52 = arith.addi %mul3A_2, %add3A_51 : i32
    %dma_start3A_53 = arith.constant 0 : i32
    %dma_start3A_54 = tpu.memref_slice %arg4[%add3A_52, %dma_start3A_53] : memref<14336x128xf32, #tpu.memory_space<hbm>> -> memref<224x128xf32, #tpu.memory_space<hbm>>
    %dma_start3A_55 = arith.constant 0 : i32
    %dma_start3A_56 = tpu.memref_slice %arg4[%add3A_52, %dma_start3A_55] : memref<14336x128xf32, #tpu.memory_space<hbm>> -> memref<224x128xf32, #tpu.memory_space<hbm>>
    tpu.enqueue_dma source(%arg6 : memref<224x128xf32, #tpu.memory_space<vmem>>) target(%dma_start3A_56 : memref<224x128xf32, #tpu.memory_space<hbm>>) target_semaphore(%arg10 : memref<!tpu.dma_semaphore, #tpu.memory_space<semaphore_mem>>)
    %dma_wait3A_57 = arith.constant 0 : i32
    %dma_wait3A_58 = arith.constant 0 : i32
    %dma_wait3A_59 = tpu.memref_slice %arg7[%dma_wait3A_57, %dma_wait3A_58] : memref<224x128xf32, #tpu.memory_space<vmem>> -> memref<112x128xf32, #tpu.memory_space<vmem>>
    %dma_wait3A_60 = arith.constant 224 : i32
    %dma_wait3A_61 = tpu.memref_slice %arg5[%dma_wait3A_60] : memref<448xi32, #tpu.memory_space<vmem>> -> memref<112xi32, #tpu.memory_space<vmem>>
    %dma_wait3A_62 = arith.constant 0 : i32
    %dma_wait3A_63 = arith.constant 0 : i32
    %dma_wait3A_64 = tpu.memref_slice %arg2[%dma_wait3A_62, %dma_wait3A_63] : memref<100000x128xf32, #tpu.memory_space<hbm>> -> memref<100000x128xf32, #tpu.memory_space<hbm>>
    tpu.wait_indirect_dma semaphore(%arg9 : memref<!tpu.dma_semaphore, #tpu.memory_space<semaphore_mem>>) src(%dma_wait3A_64 : memref<100000x128xf32, #tpu.memory_space<hbm>>) dst(%dma_wait3A_59 : memref<112x128xf32, #tpu.memory_space<vmem>>)
    %dma_wait3A_65 = arith.constant 112 : i32
    %dma_wait3A_66 = arith.constant 0 : i32
    %dma_wait3A_67 = tpu.memref_slice %arg7[%dma_wait3A_65, %dma_wait3A_66] : memref<224x128xf32, #tpu.memory_space<vmem>> -> memref<112x128xf32, #tpu.memory_space<vmem>>
    %dma_wait3A_68 = arith.constant 336 : i32
    %dma_wait3A_69 = tpu.memref_slice %arg5[%dma_wait3A_68] : memref<448xi32, #tpu.memory_space<vmem>> -> memref<112xi32, #tpu.memory_space<vmem>>
    %dma_wait3A_70 = arith.constant 0 : i32
    %dma_wait3A_71 = arith.constant 0 : i32
    %dma_wait3A_72 = tpu.memref_slice %arg2[%dma_wait3A_70, %dma_wait3A_71] : memref<100000x128xf32, #tpu.memory_space<hbm>> -> memref<100000x128xf32, #tpu.memory_space<hbm>>
    tpu.wait_indirect_dma semaphore(%arg9 : memref<!tpu.dma_semaphore, #tpu.memory_space<semaphore_mem>>) src(%dma_wait3A_72 : memref<100000x128xf32, #tpu.memory_space<hbm>>) dst(%dma_wait3A_67 : memref<112x128xf32, #tpu.memory_space<vmem>>)
    %add3A_73 = arith.constant 224 : i32
    %add3A_74 = arith.addi %mul3A_2, %add3A_73 : i32
    %dma_start3A_75 = arith.constant 0 : i32
    %dma_start3A_76 = tpu.memref_slice %arg4[%add3A_74, %dma_start3A_75] : memref<14336x128xf32, #tpu.memory_space<hbm>> -> memref<224x128xf32, #tpu.memory_space<hbm>>
    %dma_start3A_77 = arith.constant 0 : i32
    %dma_start3A_78 = tpu.memref_slice %arg4[%add3A_74, %dma_start3A_77] : memref<14336x128xf32, #tpu.memory_space<hbm>> -> memref<224x128xf32, #tpu.memory_space<hbm>>
    tpu.enqueue_dma source(%arg7 : memref<224x128xf32, #tpu.memory_space<vmem>>) target(%dma_start3A_78 : memref<224x128xf32, #tpu.memory_space<hbm>>) target_semaphore(%arg11 : memref<!tpu.dma_semaphore, #tpu.memory_space<semaphore_mem>>)
    %dma_wait3A_79 = arith.constant 0 : i32
    %dma_wait3A_80 = tpu.memref_slice %arg4[%add3A_52, %dma_wait3A_79] : memref<14336x128xf32, #tpu.memory_space<hbm>> -> memref<224x128xf32, #tpu.memory_space<hbm>>
    %dma_wait3A_81 = arith.constant 0 : i32
    %dma_wait3A_82 = tpu.memref_slice %arg4[%add3A_52, %dma_wait3A_81] : memref<14336x128xf32, #tpu.memory_space<hbm>> -> memref<224x128xf32, #tpu.memory_space<hbm>>
    tpu.wait_dma2 semaphore(%arg10 : memref<!tpu.dma_semaphore, #tpu.memory_space<semaphore_mem>>) src(%arg6 : memref<224x128xf32, #tpu.memory_space<vmem>>) dst(%dma_wait3A_82 : memref<224x128xf32, #tpu.memory_space<hbm>>)
    %dma_wait3A_83 = arith.constant 0 : i32
    %dma_wait3A_84 = tpu.memref_slice %arg4[%add3A_74, %dma_wait3A_83] : memref<14336x128xf32, #tpu.memory_space<hbm>> -> memref<224x128xf32, #tpu.memory_space<hbm>>
    %dma_wait3A_85 = arith.constant 0 : i32
    %dma_wait3A_86 = tpu.memref_slice %arg4[%add3A_74, %dma_wait3A_85] : memref<14336x128xf32, #tpu.memory_space<hbm>> -> memref<224x128xf32, #tpu.memory_space<hbm>>
    tpu.wait_dma2 semaphore(%arg11 : memref<!tpu.dma_semaphore, #tpu.memory_space<semaphore_mem>>) src(%arg7 : memref<224x128xf32, #tpu.memory_space<vmem>>) dst(%dma_wait3A_86 : memref<224x128xf32, #tpu.memory_space<hbm>>)
    return
  }
}

#map = affine_map<(d0, d1) -> (0, 0)>
#map1 = affine_map<(d0, d1) -> (0)>
module attributes {stable_mosaic.version = 14 : i64} {
  func.func @k(%arg0: i32, %arg1: i32, %arg2: memref<100000x128xf32, #tpu.memory_space<hbm>>, %arg3: memref<50000xi32, #tpu.memory_space<hbm>>, %arg4: memref<14336x128xf32, #tpu.memory_space<hbm>>, %arg5: memref<448xi32, #tpu.memory_space<vmem>>, %arg6: memref<224x128xf32, #tpu.memory_space<vmem>>, %arg7: memref<224x128xf32, #tpu.memory_space<vmem>>, %arg8: memref<!tpu.dma_semaphore, #tpu.memory_space<semaphore_mem>>, %arg9: memref<!tpu.dma_semaphore, #tpu.memory_space<semaphore_mem>>, %arg10: memref<!tpu.dma_semaphore, #tpu.memory_space<semaphore_mem>>, %arg11: memref<!tpu.dma_semaphore, #tpu.memory_space<semaphore_mem>>) attributes {dimension_semantics = [#tpu.dimension_semantics<core_parallel>, #tpu.dimension_semantics<subcore_parallel>], iteration_bounds = array<i64: 2, 16>, scalar_prefetch = 0 : i64, scratch_operands = 7 : i64, tpu.core_type = #tpu.core_type<sc_vector_subcore>, window_params = [{transform_indices = #map}, {transform_indices = #map1}, {transform_indices = #map}]} {
    %mul3A = arith.constant 2 : i32
    %mul3A_0 = arith.muli %arg1, %mul3A : i32
    %add3A = arith.addi %mul3A_0, %arg0 : i32
    %mul3A_1 = arith.constant 448 : i32
    %mul3A_2 = arith.muli %add3A, %mul3A_1 : i32
    %add3A_3 = arith.constant 14336 : i32
    %add3A_4 = arith.addi %add3A_3, %mul3A_2 : i32
    "tpu.region"() ({
      %run_scoped3A = tpu.sem_alloc : memref<!tpu.dma_semaphore, #tpu.memory_space<semaphore_mem>>
      %dma_start3A_87 = tpu.memref_slice %arg3[%add3A_4] : memref<50000xi32, #tpu.memory_space<hbm>> -> memref<448xi32, #tpu.memory_space<hbm>>
      %dma_start3A_88 = tpu.memref_slice %arg3[%add3A_4] : memref<50000xi32, #tpu.memory_space<hbm>> -> memref<448xi32, #tpu.memory_space<hbm>>
      tpu.enqueue_dma source(%dma_start3A_88 : memref<448xi32, #tpu.memory_space<hbm>>) target(%arg5 : memref<448xi32, #tpu.memory_space<vmem>>) target_semaphore(%run_scoped3A : memref<!tpu.dma_semaphore, #tpu.memory_space<semaphore_mem>>)
      %dma_wait3A_89 = tpu.memref_slice %arg3[%add3A_4] : memref<50000xi32, #tpu.memory_space<hbm>> -> memref<448xi32, #tpu.memory_space<hbm>>
      %dma_wait3A_90 = tpu.memref_slice %arg3[%add3A_4] : memref<50000xi32, #tpu.memory_space<hbm>> -> memref<448xi32, #tpu.memory_space<hbm>>
      tpu.wait_dma2 semaphore(%run_scoped3A : memref<!tpu.dma_semaphore, #tpu.memory_space<semaphore_mem>>) src(%dma_wait3A_90 : memref<448xi32, #tpu.memory_space<hbm>>) dst(%arg5 : memref<448xi32, #tpu.memory_space<vmem>>)
      tpu.yield
    }) : () -> ()
    %dma_start3A = arith.constant 0 : i32
    %dma_start3A_5 = arith.constant 0 : i32
    %dma_start3A_6 = tpu.memref_slice %arg6[%dma_start3A, %dma_start3A_5] : memref<224x128xf32, #tpu.memory_space<vmem>> -> memref<112x128xf32, #tpu.memory_space<vmem>>
    %dma_start3A_7 = arith.constant 0 : i32
    %dma_start3A_8 = tpu.memref_slice %arg5[%dma_start3A_7] : memref<448xi32, #tpu.memory_space<vmem>> -> memref<112xi32, #tpu.memory_space<vmem>>
    %dma_start3A_9 = arith.constant 0 : i32
    %dma_start3A_10 = arith.constant 0 : i32
    %dma_start3A_11 = tpu.memref_slice %arg2[%dma_start3A_9, %dma_start3A_10] : memref<100000x128xf32, #tpu.memory_space<hbm>> -> memref<100000x128xf32, #tpu.memory_space<hbm>>
    tpu.enqueue_indirect_dma source(%dma_start3A_11 : memref<100000x128xf32, #tpu.memory_space<hbm>>) target(%dma_start3A_6 : memref<112x128xf32, #tpu.memory_space<vmem>>) offsets(%dma_start3A_8 : memref<112xi32, #tpu.memory_space<vmem>>) semaphore(%arg8 : memref<!tpu.dma_semaphore, #tpu.memory_space<semaphore_mem>>)
    %dma_start3A_12 = arith.constant 112 : i32
    %dma_start3A_13 = arith.constant 0 : i32
    %dma_start3A_14 = tpu.memref_slice %arg6[%dma_start3A_12, %dma_start3A_13] : memref<224x128xf32, #tpu.memory_space<vmem>> -> memref<112x128xf32, #tpu.memory_space<vmem>>
    %dma_start3A_15 = arith.constant 112 : i32
    %dma_start3A_16 = tpu.memref_slice %arg5[%dma_start3A_15] : memref<448xi32, #tpu.memory_space<vmem>> -> memref<112xi32, #tpu.memory_space<vmem>>
    %dma_start3A_17 = arith.constant 0 : i32
    %dma_start3A_18 = arith.constant 0 : i32
    %dma_start3A_19 = tpu.memref_slice %arg2[%dma_start3A_17, %dma_start3A_18] : memref<100000x128xf32, #tpu.memory_space<hbm>> -> memref<100000x128xf32, #tpu.memory_space<hbm>>
    tpu.enqueue_indirect_dma source(%dma_start3A_19 : memref<100000x128xf32, #tpu.memory_space<hbm>>) target(%dma_start3A_14 : memref<112x128xf32, #tpu.memory_space<vmem>>) offsets(%dma_start3A_16 : memref<112xi32, #tpu.memory_space<vmem>>) semaphore(%arg8 : memref<!tpu.dma_semaphore, #tpu.memory_space<semaphore_mem>>)
    %dma_start3A_20 = arith.constant 0 : i32
    %dma_start3A_21 = arith.constant 0 : i32
    %dma_start3A_22 = tpu.memref_slice %arg7[%dma_start3A_20, %dma_start3A_21] : memref<224x128xf32, #tpu.memory_space<vmem>> -> memref<112x128xf32, #tpu.memory_space<vmem>>
    %dma_start3A_23 = arith.constant 224 : i32
    %dma_start3A_24 = tpu.memref_slice %arg5[%dma_start3A_23] : memref<448xi32, #tpu.memory_space<vmem>> -> memref<112xi32, #tpu.memory_space<vmem>>
    %dma_start3A_25 = arith.constant 0 : i32
    %dma_start3A_26 = arith.constant 0 : i32
    %dma_start3A_27 = tpu.memref_slice %arg2[%dma_start3A_25, %dma_start3A_26] : memref<100000x128xf32, #tpu.memory_space<hbm>> -> memref<100000x128xf32, #tpu.memory_space<hbm>>
    tpu.enqueue_indirect_dma source(%dma_start3A_27 : memref<100000x128xf32, #tpu.memory_space<hbm>>) target(%dma_start3A_22 : memref<112x128xf32, #tpu.memory_space<vmem>>) offsets(%dma_start3A_24 : memref<112xi32, #tpu.memory_space<vmem>>) semaphore(%arg9 : memref<!tpu.dma_semaphore, #tpu.memory_space<semaphore_mem>>)
    %dma_start3A_28 = arith.constant 112 : i32
    %dma_start3A_29 = arith.constant 0 : i32
    %dma_start3A_30 = tpu.memref_slice %arg7[%dma_start3A_28, %dma_start3A_29] : memref<224x128xf32, #tpu.memory_space<vmem>> -> memref<112x128xf32, #tpu.memory_space<vmem>>
    %dma_start3A_31 = arith.constant 336 : i32
    %dma_start3A_32 = tpu.memref_slice %arg5[%dma_start3A_31] : memref<448xi32, #tpu.memory_space<vmem>> -> memref<112xi32, #tpu.memory_space<vmem>>
    %dma_start3A_33 = arith.constant 0 : i32
    %dma_start3A_34 = arith.constant 0 : i32
    %dma_start3A_35 = tpu.memref_slice %arg2[%dma_start3A_33, %dma_start3A_34] : memref<100000x128xf32, #tpu.memory_space<hbm>> -> memref<100000x128xf32, #tpu.memory_space<hbm>>
    tpu.enqueue_indirect_dma source(%dma_start3A_35 : memref<100000x128xf32, #tpu.memory_space<hbm>>) target(%dma_start3A_30 : memref<112x128xf32, #tpu.memory_space<vmem>>) offsets(%dma_start3A_32 : memref<112xi32, #tpu.memory_space<vmem>>) semaphore(%arg9 : memref<!tpu.dma_semaphore, #tpu.memory_space<semaphore_mem>>)
    %dma_wait3A = arith.constant 0 : i32
    %dma_wait3A_36 = arith.constant 0 : i32
    %dma_wait3A_37 = tpu.memref_slice %arg6[%dma_wait3A, %dma_wait3A_36] : memref<224x128xf32, #tpu.memory_space<vmem>> -> memref<112x128xf32, #tpu.memory_space<vmem>>
    %dma_wait3A_38 = arith.constant 0 : i32
    %dma_wait3A_39 = tpu.memref_slice %arg5[%dma_wait3A_38] : memref<448xi32, #tpu.memory_space<vmem>> -> memref<112xi32, #tpu.memory_space<vmem>>
    %dma_wait3A_40 = arith.constant 0 : i32
    %dma_wait3A_41 = arith.constant 0 : i32
    %dma_wait3A_42 = tpu.memref_slice %arg2[%dma_wait3A_40, %dma_wait3A_41] : memref<100000x128xf32, #tpu.memory_space<hbm>> -> memref<100000x128xf32, #tpu.memory_space<hbm>>
    tpu.wait_indirect_dma semaphore(%arg8 : memref<!tpu.dma_semaphore, #tpu.memory_space<semaphore_mem>>) src(%dma_wait3A_42 : memref<100000x128xf32, #tpu.memory_space<hbm>>) dst(%dma_wait3A_37 : memref<112x128xf32, #tpu.memory_space<vmem>>)
    %dma_wait3A_43 = arith.constant 112 : i32
    %dma_wait3A_44 = arith.constant 0 : i32
    %dma_wait3A_45 = tpu.memref_slice %arg6[%dma_wait3A_43, %dma_wait3A_44] : memref<224x128xf32, #tpu.memory_space<vmem>> -> memref<112x128xf32, #tpu.memory_space<vmem>>
    %dma_wait3A_46 = arith.constant 112 : i32
    %dma_wait3A_47 = tpu.memref_slice %arg5[%dma_wait3A_46] : memref<448xi32, #tpu.memory_space<vmem>> -> memref<112xi32, #tpu.memory_space<vmem>>
    %dma_wait3A_48 = arith.constant 0 : i32
    %dma_wait3A_49 = arith.constant 0 : i32
    %dma_wait3A_50 = tpu.memref_slice %arg2[%dma_wait3A_48, %dma_wait3A_49] : memref<100000x128xf32, #tpu.memory_space<hbm>> -> memref<100000x128xf32, #tpu.memory_space<hbm>>
    tpu.wait_indirect_dma semaphore(%arg8 : memref<!tpu.dma_semaphore, #tpu.memory_space<semaphore_mem>>) src(%dma_wait3A_50 : memref<100000x128xf32, #tpu.memory_space<hbm>>) dst(%dma_wait3A_45 : memref<112x128xf32, #tpu.memory_space<vmem>>)
    %add3A_51 = arith.constant 0 : i32
    %add3A_52 = arith.addi %mul3A_2, %add3A_51 : i32
    %dma_start3A_53 = arith.constant 0 : i32
    %dma_start3A_54 = tpu.memref_slice %arg4[%add3A_52, %dma_start3A_53] : memref<14336x128xf32, #tpu.memory_space<hbm>> -> memref<224x128xf32, #tpu.memory_space<hbm>>
    %dma_start3A_55 = arith.constant 0 : i32
    %dma_start3A_56 = tpu.memref_slice %arg4[%add3A_52, %dma_start3A_55] : memref<14336x128xf32, #tpu.memory_space<hbm>> -> memref<224x128xf32, #tpu.memory_space<hbm>>
    tpu.enqueue_dma source(%arg6 : memref<224x128xf32, #tpu.memory_space<vmem>>) target(%dma_start3A_56 : memref<224x128xf32, #tpu.memory_space<hbm>>) target_semaphore(%arg10 : memref<!tpu.dma_semaphore, #tpu.memory_space<semaphore_mem>>)
    %dma_wait3A_57 = arith.constant 0 : i32
    %dma_wait3A_58 = arith.constant 0 : i32
    %dma_wait3A_59 = tpu.memref_slice %arg7[%dma_wait3A_57, %dma_wait3A_58] : memref<224x128xf32, #tpu.memory_space<vmem>> -> memref<112x128xf32, #tpu.memory_space<vmem>>
    %dma_wait3A_60 = arith.constant 224 : i32
    %dma_wait3A_61 = tpu.memref_slice %arg5[%dma_wait3A_60] : memref<448xi32, #tpu.memory_space<vmem>> -> memref<112xi32, #tpu.memory_space<vmem>>
    %dma_wait3A_62 = arith.constant 0 : i32
    %dma_wait3A_63 = arith.constant 0 : i32
    %dma_wait3A_64 = tpu.memref_slice %arg2[%dma_wait3A_62, %dma_wait3A_63] : memref<100000x128xf32, #tpu.memory_space<hbm>> -> memref<100000x128xf32, #tpu.memory_space<hbm>>
    tpu.wait_indirect_dma semaphore(%arg9 : memref<!tpu.dma_semaphore, #tpu.memory_space<semaphore_mem>>) src(%dma_wait3A_64 : memref<100000x128xf32, #tpu.memory_space<hbm>>) dst(%dma_wait3A_59 : memref<112x128xf32, #tpu.memory_space<vmem>>)
    %dma_wait3A_65 = arith.constant 112 : i32
    %dma_wait3A_66 = arith.constant 0 : i32
    %dma_wait3A_67 = tpu.memref_slice %arg7[%dma_wait3A_65, %dma_wait3A_66] : memref<224x128xf32, #tpu.memory_space<vmem>> -> memref<112x128xf32, #tpu.memory_space<vmem>>
    %dma_wait3A_68 = arith.constant 336 : i32
    %dma_wait3A_69 = tpu.memref_slice %arg5[%dma_wait3A_68] : memref<448xi32, #tpu.memory_space<vmem>> -> memref<112xi32, #tpu.memory_space<vmem>>
    %dma_wait3A_70 = arith.constant 0 : i32
    %dma_wait3A_71 = arith.constant 0 : i32
    %dma_wait3A_72 = tpu.memref_slice %arg2[%dma_wait3A_70, %dma_wait3A_71] : memref<100000x128xf32, #tpu.memory_space<hbm>> -> memref<100000x128xf32, #tpu.memory_space<hbm>>
    tpu.wait_indirect_dma semaphore(%arg9 : memref<!tpu.dma_semaphore, #tpu.memory_space<semaphore_mem>>) src(%dma_wait3A_72 : memref<100000x128xf32, #tpu.memory_space<hbm>>) dst(%dma_wait3A_67 : memref<112x128xf32, #tpu.memory_space<vmem>>)
    %add3A_73 = arith.constant 224 : i32
    %add3A_74 = arith.addi %mul3A_2, %add3A_73 : i32
    %dma_start3A_75 = arith.constant 0 : i32
    %dma_start3A_76 = tpu.memref_slice %arg4[%add3A_74, %dma_start3A_75] : memref<14336x128xf32, #tpu.memory_space<hbm>> -> memref<224x128xf32, #tpu.memory_space<hbm>>
    %dma_start3A_77 = arith.constant 0 : i32
    %dma_start3A_78 = tpu.memref_slice %arg4[%add3A_74, %dma_start3A_77] : memref<14336x128xf32, #tpu.memory_space<hbm>> -> memref<224x128xf32, #tpu.memory_space<hbm>>
    tpu.enqueue_dma source(%arg7 : memref<224x128xf32, #tpu.memory_space<vmem>>) target(%dma_start3A_78 : memref<224x128xf32, #tpu.memory_space<hbm>>) target_semaphore(%arg11 : memref<!tpu.dma_semaphore, #tpu.memory_space<semaphore_mem>>)
    %dma_wait3A_79 = arith.constant 0 : i32
    %dma_wait3A_80 = tpu.memref_slice %arg4[%add3A_52, %dma_wait3A_79] : memref<14336x128xf32, #tpu.memory_space<hbm>> -> memref<224x128xf32, #tpu.memory_space<hbm>>
    %dma_wait3A_81 = arith.constant 0 : i32
    %dma_wait3A_82 = tpu.memref_slice %arg4[%add3A_52, %dma_wait3A_81] : memref<14336x128xf32, #tpu.memory_space<hbm>> -> memref<224x128xf32, #tpu.memory_space<hbm>>
    tpu.wait_dma2 semaphore(%arg10 : memref<!tpu.dma_semaphore, #tpu.memory_space<semaphore_mem>>) src(%arg6 : memref<224x128xf32, #tpu.memory_space<vmem>>) dst(%dma_wait3A_82 : memref<224x128xf32, #tpu.memory_space<hbm>>)
    %dma_wait3A_83 = arith.constant 0 : i32
    %dma_wait3A_84 = tpu.memref_slice %arg4[%add3A_74, %dma_wait3A_83] : memref<14336x128xf32, #tpu.memory_space<hbm>> -> memref<224x128xf32, #tpu.memory_space<hbm>>
    %dma_wait3A_85 = arith.constant 0 : i32
    %dma_wait3A_86 = tpu.memref_slice %arg4[%add3A_74, %dma_wait3A_85] : memref<14336x128xf32, #tpu.memory_space<hbm>> -> memref<224x128xf32, #tpu.memory_space<hbm>>
    tpu.wait_dma2 semaphore(%arg11 : memref<!tpu.dma_semaphore, #tpu.memory_space<semaphore_mem>>) src(%arg7 : memref<224x128xf32, #tpu.memory_space<vmem>>) dst(%dma_wait3A_86 : memref<224x128xf32, #tpu.memory_space<hbm>>)
    return
  }
}

#map = affine_map<(d0, d1) -> (0, 0)>
#map1 = affine_map<(d0, d1) -> (0)>
module attributes {stable_mosaic.version = 14 : i64} {
  func.func @k(%arg0: i32, %arg1: i32, %arg2: memref<100000x128xf32, #tpu.memory_space<hbm>>, %arg3: memref<50176xi32, #tpu.memory_space<hbm>>, %arg4: memref<7168x128xf32, #tpu.memory_space<hbm>>, %arg5: memref<224xi32, #tpu.memory_space<vmem>>, %arg6: memref<224x128xf32, #tpu.memory_space<vmem>>, %arg7: memref<224x128xf32, #tpu.memory_space<vmem>>, %arg8: memref<!tpu.dma_semaphore, #tpu.memory_space<semaphore_mem>>, %arg9: memref<!tpu.dma_semaphore, #tpu.memory_space<semaphore_mem>>, %arg10: memref<!tpu.dma_semaphore, #tpu.memory_space<semaphore_mem>>, %arg11: memref<!tpu.dma_semaphore, #tpu.memory_space<semaphore_mem>>) attributes {dimension_semantics = [#tpu.dimension_semantics<core_parallel>, #tpu.dimension_semantics<subcore_parallel>], iteration_bounds = array<i64: 2, 16>, scalar_prefetch = 0 : i64, scratch_operands = 7 : i64, tpu.core_type = #tpu.core_type<sc_vector_subcore>, window_params = [{transform_indices = #map}, {transform_indices = #map1}, {transform_indices = #map}]} {
    %mul3A = arith.constant 2 : i32
    %mul3A_0 = arith.muli %arg1, %mul3A : i32
    %add3A = arith.addi %mul3A_0, %arg0 : i32
    %mul3A_1 = arith.constant 224 : i32
    %mul3A_2 = arith.muli %add3A, %mul3A_1 : i32
    %add3A_3 = arith.constant 43008 : i32
    %add3A_4 = arith.addi %add3A_3, %mul3A_2 : i32
    "tpu.region"() ({
      %run_scoped3A = tpu.sem_alloc : memref<!tpu.dma_semaphore, #tpu.memory_space<semaphore_mem>>
      %dma_start3A_45 = tpu.memref_slice %arg3[%add3A_4] : memref<50176xi32, #tpu.memory_space<hbm>> -> memref<224xi32, #tpu.memory_space<hbm>>
      %dma_start3A_46 = tpu.memref_slice %arg3[%add3A_4] : memref<50176xi32, #tpu.memory_space<hbm>> -> memref<224xi32, #tpu.memory_space<hbm>>
      tpu.enqueue_dma source(%dma_start3A_46 : memref<224xi32, #tpu.memory_space<hbm>>) target(%arg5 : memref<224xi32, #tpu.memory_space<vmem>>) target_semaphore(%run_scoped3A : memref<!tpu.dma_semaphore, #tpu.memory_space<semaphore_mem>>)
      %dma_wait3A_47 = tpu.memref_slice %arg3[%add3A_4] : memref<50176xi32, #tpu.memory_space<hbm>> -> memref<224xi32, #tpu.memory_space<hbm>>
      %dma_wait3A_48 = tpu.memref_slice %arg3[%add3A_4] : memref<50176xi32, #tpu.memory_space<hbm>> -> memref<224xi32, #tpu.memory_space<hbm>>
      tpu.wait_dma2 semaphore(%run_scoped3A : memref<!tpu.dma_semaphore, #tpu.memory_space<semaphore_mem>>) src(%dma_wait3A_48 : memref<224xi32, #tpu.memory_space<hbm>>) dst(%arg5 : memref<224xi32, #tpu.memory_space<vmem>>)
      tpu.yield
    }) : () -> ()
    %dma_start3A = arith.constant 0 : i32
    %dma_start3A_5 = arith.constant 0 : i32
    %dma_start3A_6 = tpu.memref_slice %arg6[%dma_start3A, %dma_start3A_5] : memref<224x128xf32, #tpu.memory_space<vmem>> -> memref<112x128xf32, #tpu.memory_space<vmem>>
    %dma_start3A_7 = arith.constant 0 : i32
    %dma_start3A_8 = tpu.memref_slice %arg5[%dma_start3A_7] : memref<224xi32, #tpu.memory_space<vmem>> -> memref<112xi32, #tpu.memory_space<vmem>>
    %dma_start3A_9 = arith.constant 0 : i32
    %dma_start3A_10 = arith.constant 0 : i32
    %dma_start3A_11 = tpu.memref_slice %arg2[%dma_start3A_9, %dma_start3A_10] : memref<100000x128xf32, #tpu.memory_space<hbm>> -> memref<100000x128xf32, #tpu.memory_space<hbm>>
    tpu.enqueue_indirect_dma source(%dma_start3A_11 : memref<100000x128xf32, #tpu.memory_space<hbm>>) target(%dma_start3A_6 : memref<112x128xf32, #tpu.memory_space<vmem>>) offsets(%dma_start3A_8 : memref<112xi32, #tpu.memory_space<vmem>>) semaphore(%arg8 : memref<!tpu.dma_semaphore, #tpu.memory_space<semaphore_mem>>)
    %dma_start3A_12 = arith.constant 112 : i32
    %dma_start3A_13 = arith.constant 0 : i32
    %dma_start3A_14 = tpu.memref_slice %arg6[%dma_start3A_12, %dma_start3A_13] : memref<224x128xf32, #tpu.memory_space<vmem>> -> memref<112x128xf32, #tpu.memory_space<vmem>>
    %dma_start3A_15 = arith.constant 112 : i32
    %dma_start3A_16 = tpu.memref_slice %arg5[%dma_start3A_15] : memref<224xi32, #tpu.memory_space<vmem>> -> memref<112xi32, #tpu.memory_space<vmem>>
    %dma_start3A_17 = arith.constant 0 : i32
    %dma_start3A_18 = arith.constant 0 : i32
    %dma_start3A_19 = tpu.memref_slice %arg2[%dma_start3A_17, %dma_start3A_18] : memref<100000x128xf32, #tpu.memory_space<hbm>> -> memref<100000x128xf32, #tpu.memory_space<hbm>>
    tpu.enqueue_indirect_dma source(%dma_start3A_19 : memref<100000x128xf32, #tpu.memory_space<hbm>>) target(%dma_start3A_14 : memref<112x128xf32, #tpu.memory_space<vmem>>) offsets(%dma_start3A_16 : memref<112xi32, #tpu.memory_space<vmem>>) semaphore(%arg8 : memref<!tpu.dma_semaphore, #tpu.memory_space<semaphore_mem>>)
    %dma_wait3A = arith.constant 0 : i32
    %dma_wait3A_20 = arith.constant 0 : i32
    %dma_wait3A_21 = tpu.memref_slice %arg6[%dma_wait3A, %dma_wait3A_20] : memref<224x128xf32, #tpu.memory_space<vmem>> -> memref<112x128xf32, #tpu.memory_space<vmem>>
    %dma_wait3A_22 = arith.constant 0 : i32
    %dma_wait3A_23 = tpu.memref_slice %arg5[%dma_wait3A_22] : memref<224xi32, #tpu.memory_space<vmem>> -> memref<112xi32, #tpu.memory_space<vmem>>
    %dma_wait3A_24 = arith.constant 0 : i32
    %dma_wait3A_25 = arith.constant 0 : i32
    %dma_wait3A_26 = tpu.memref_slice %arg2[%dma_wait3A_24, %dma_wait3A_25] : memref<100000x128xf32, #tpu.memory_space<hbm>> -> memref<100000x128xf32, #tpu.memory_space<hbm>>
    tpu.wait_indirect_dma semaphore(%arg8 : memref<!tpu.dma_semaphore, #tpu.memory_space<semaphore_mem>>) src(%dma_wait3A_26 : memref<100000x128xf32, #tpu.memory_space<hbm>>) dst(%dma_wait3A_21 : memref<112x128xf32, #tpu.memory_space<vmem>>)
    %dma_wait3A_27 = arith.constant 112 : i32
    %dma_wait3A_28 = arith.constant 0 : i32
    %dma_wait3A_29 = tpu.memref_slice %arg6[%dma_wait3A_27, %dma_wait3A_28] : memref<224x128xf32, #tpu.memory_space<vmem>> -> memref<112x128xf32, #tpu.memory_space<vmem>>
    %dma_wait3A_30 = arith.constant 112 : i32
    %dma_wait3A_31 = tpu.memref_slice %arg5[%dma_wait3A_30] : memref<224xi32, #tpu.memory_space<vmem>> -> memref<112xi32, #tpu.memory_space<vmem>>
    %dma_wait3A_32 = arith.constant 0 : i32
    %dma_wait3A_33 = arith.constant 0 : i32
    %dma_wait3A_34 = tpu.memref_slice %arg2[%dma_wait3A_32, %dma_wait3A_33] : memref<100000x128xf32, #tpu.memory_space<hbm>> -> memref<100000x128xf32, #tpu.memory_space<hbm>>
    tpu.wait_indirect_dma semaphore(%arg8 : memref<!tpu.dma_semaphore, #tpu.memory_space<semaphore_mem>>) src(%dma_wait3A_34 : memref<100000x128xf32, #tpu.memory_space<hbm>>) dst(%dma_wait3A_29 : memref<112x128xf32, #tpu.memory_space<vmem>>)
    %add3A_35 = arith.constant 0 : i32
    %add3A_36 = arith.addi %mul3A_2, %add3A_35 : i32
    %dma_start3A_37 = arith.constant 0 : i32
    %dma_start3A_38 = tpu.memref_slice %arg4[%add3A_36, %dma_start3A_37] : memref<7168x128xf32, #tpu.memory_space<hbm>> -> memref<224x128xf32, #tpu.memory_space<hbm>>
    %dma_start3A_39 = arith.constant 0 : i32
    %dma_start3A_40 = tpu.memref_slice %arg4[%add3A_36, %dma_start3A_39] : memref<7168x128xf32, #tpu.memory_space<hbm>> -> memref<224x128xf32, #tpu.memory_space<hbm>>
    tpu.enqueue_dma source(%arg6 : memref<224x128xf32, #tpu.memory_space<vmem>>) target(%dma_start3A_40 : memref<224x128xf32, #tpu.memory_space<hbm>>) target_semaphore(%arg10 : memref<!tpu.dma_semaphore, #tpu.memory_space<semaphore_mem>>)
    %dma_wait3A_41 = arith.constant 0 : i32
    %dma_wait3A_42 = tpu.memref_slice %arg4[%add3A_36, %dma_wait3A_41] : memref<7168x128xf32, #tpu.memory_space<hbm>> -> memref<224x128xf32, #tpu.memory_space<hbm>>
    %dma_wait3A_43 = arith.constant 0 : i32
    %dma_wait3A_44 = tpu.memref_slice %arg4[%add3A_36, %dma_wait3A_43] : memref<7168x128xf32, #tpu.memory_space<hbm>> -> memref<224x128xf32, #tpu.memory_space<hbm>>
    tpu.wait_dma2 semaphore(%arg10 : memref<!tpu.dma_semaphore, #tpu.memory_space<semaphore_mem>>) src(%arg6 : memref<224x128xf32, #tpu.memory_space<vmem>>) dst(%dma_wait3A_44 : memref<224x128xf32, #tpu.memory_space<hbm>>)
    return
  }
}

#map = affine_map<(d0, d1) -> (0, 0)>
#map1 = affine_map<(d0, d1) -> (0)>
module attributes {stable_mosaic.version = 14 : i64} {
  func.func @k(%arg0: i32, %arg1: i32, %arg2: memref<100000x128xf32, #tpu.memory_space<hbm>>, %arg3: memref<50000xi32, #tpu.memory_space<hbm>>, %arg4: memref<14336x128xf32, #tpu.memory_space<hbm>>, %arg5: memref<448xi32, #tpu.memory_space<vmem>>, %arg6: memref<224x128xf32, #tpu.memory_space<vmem>>, %arg7: memref<224x128xf32, #tpu.memory_space<vmem>>, %arg8: memref<!tpu.dma_semaphore, #tpu.memory_space<semaphore_mem>>, %arg9: memref<!tpu.dma_semaphore, #tpu.memory_space<semaphore_mem>>, %arg10: memref<!tpu.dma_semaphore, #tpu.memory_space<semaphore_mem>>, %arg11: memref<!tpu.dma_semaphore, #tpu.memory_space<semaphore_mem>>) attributes {dimension_semantics = [#tpu.dimension_semantics<core_parallel>, #tpu.dimension_semantics<subcore_parallel>], iteration_bounds = array<i64: 2, 16>, scalar_prefetch = 0 : i64, scratch_operands = 7 : i64, tpu.core_type = #tpu.core_type<sc_vector_subcore>, window_params = [{transform_indices = #map}, {transform_indices = #map1}, {transform_indices = #map}]} {
    %mul3A = arith.constant 2 : i32
    %mul3A_0 = arith.muli %arg1, %mul3A : i32
    %add3A = arith.addi %mul3A_0, %arg0 : i32
    %mul3A_1 = arith.constant 448 : i32
    %mul3A_2 = arith.muli %add3A, %mul3A_1 : i32
    %add3A_3 = arith.constant 0 : i32
    %add3A_4 = arith.addi %add3A_3, %mul3A_2 : i32
    "tpu.region"() ({
      %run_scoped3A = tpu.sem_alloc : memref<!tpu.dma_semaphore, #tpu.memory_space<semaphore_mem>>
      %dma_start3A_87 = tpu.memref_slice %arg3[%add3A_4] : memref<50000xi32, #tpu.memory_space<hbm>> -> memref<448xi32, #tpu.memory_space<hbm>>
      %dma_start3A_88 = tpu.memref_slice %arg3[%add3A_4] : memref<50000xi32, #tpu.memory_space<hbm>> -> memref<448xi32, #tpu.memory_space<hbm>>
      tpu.enqueue_dma source(%dma_start3A_88 : memref<448xi32, #tpu.memory_space<hbm>>) target(%arg5 : memref<448xi32, #tpu.memory_space<vmem>>) target_semaphore(%run_scoped3A : memref<!tpu.dma_semaphore, #tpu.memory_space<semaphore_mem>>)
      %dma_wait3A_89 = tpu.memref_slice %arg3[%add3A_4] : memref<50000xi32, #tpu.memory_space<hbm>> -> memref<448xi32, #tpu.memory_space<hbm>>
      %dma_wait3A_90 = tpu.memref_slice %arg3[%add3A_4] : memref<50000xi32, #tpu.memory_space<hbm>> -> memref<448xi32, #tpu.memory_space<hbm>>
      tpu.wait_dma2 semaphore(%run_scoped3A : memref<!tpu.dma_semaphore, #tpu.memory_space<semaphore_mem>>) src(%dma_wait3A_90 : memref<448xi32, #tpu.memory_space<hbm>>) dst(%arg5 : memref<448xi32, #tpu.memory_space<vmem>>)
      tpu.yield
    }) : () -> ()
    %dma_start3A = arith.constant 0 : i32
    %dma_start3A_5 = arith.constant 0 : i32
    %dma_start3A_6 = tpu.memref_slice %arg6[%dma_start3A, %dma_start3A_5] : memref<224x128xf32, #tpu.memory_space<vmem>> -> memref<112x128xf32, #tpu.memory_space<vmem>>
    %dma_start3A_7 = arith.constant 0 : i32
    %dma_start3A_8 = tpu.memref_slice %arg5[%dma_start3A_7] : memref<448xi32, #tpu.memory_space<vmem>> -> memref<112xi32, #tpu.memory_space<vmem>>
    %dma_start3A_9 = arith.constant 0 : i32
    %dma_start3A_10 = arith.constant 0 : i32
    %dma_start3A_11 = tpu.memref_slice %arg2[%dma_start3A_9, %dma_start3A_10] : memref<100000x128xf32, #tpu.memory_space<hbm>> -> memref<100000x128xf32, #tpu.memory_space<hbm>>
    tpu.enqueue_indirect_dma source(%dma_start3A_11 : memref<100000x128xf32, #tpu.memory_space<hbm>>) target(%dma_start3A_6 : memref<112x128xf32, #tpu.memory_space<vmem>>) offsets(%dma_start3A_8 : memref<112xi32, #tpu.memory_space<vmem>>) semaphore(%arg8 : memref<!tpu.dma_semaphore, #tpu.memory_space<semaphore_mem>>)
    %dma_start3A_12 = arith.constant 112 : i32
    %dma_start3A_13 = arith.constant 0 : i32
    %dma_start3A_14 = tpu.memref_slice %arg6[%dma_start3A_12, %dma_start3A_13] : memref<224x128xf32, #tpu.memory_space<vmem>> -> memref<112x128xf32, #tpu.memory_space<vmem>>
    %dma_start3A_15 = arith.constant 112 : i32
    %dma_start3A_16 = tpu.memref_slice %arg5[%dma_start3A_15] : memref<448xi32, #tpu.memory_space<vmem>> -> memref<112xi32, #tpu.memory_space<vmem>>
    %dma_start3A_17 = arith.constant 0 : i32
    %dma_start3A_18 = arith.constant 0 : i32
    %dma_start3A_19 = tpu.memref_slice %arg2[%dma_start3A_17, %dma_start3A_18] : memref<100000x128xf32, #tpu.memory_space<hbm>> -> memref<100000x128xf32, #tpu.memory_space<hbm>>
    tpu.enqueue_indirect_dma source(%dma_start3A_19 : memref<100000x128xf32, #tpu.memory_space<hbm>>) target(%dma_start3A_14 : memref<112x128xf32, #tpu.memory_space<vmem>>) offsets(%dma_start3A_16 : memref<112xi32, #tpu.memory_space<vmem>>) semaphore(%arg8 : memref<!tpu.dma_semaphore, #tpu.memory_space<semaphore_mem>>)
    %dma_start3A_20 = arith.constant 0 : i32
    %dma_start3A_21 = arith.constant 0 : i32
    %dma_start3A_22 = tpu.memref_slice %arg7[%dma_start3A_20, %dma_start3A_21] : memref<224x128xf32, #tpu.memory_space<vmem>> -> memref<112x128xf32, #tpu.memory_space<vmem>>
    %dma_start3A_23 = arith.constant 224 : i32
    %dma_start3A_24 = tpu.memref_slice %arg5[%dma_start3A_23] : memref<448xi32, #tpu.memory_space<vmem>> -> memref<112xi32, #tpu.memory_space<vmem>>
    %dma_start3A_25 = arith.constant 0 : i32
    %dma_start3A_26 = arith.constant 0 : i32
    %dma_start3A_27 = tpu.memref_slice %arg2[%dma_start3A_25, %dma_start3A_26] : memref<100000x128xf32, #tpu.memory_space<hbm>> -> memref<100000x128xf32, #tpu.memory_space<hbm>>
    tpu.enqueue_indirect_dma source(%dma_start3A_27 : memref<100000x128xf32, #tpu.memory_space<hbm>>) target(%dma_start3A_22 : memref<112x128xf32, #tpu.memory_space<vmem>>) offsets(%dma_start3A_24 : memref<112xi32, #tpu.memory_space<vmem>>) semaphore(%arg9 : memref<!tpu.dma_semaphore, #tpu.memory_space<semaphore_mem>>)
    %dma_start3A_28 = arith.constant 112 : i32
    %dma_start3A_29 = arith.constant 0 : i32
    %dma_start3A_30 = tpu.memref_slice %arg7[%dma_start3A_28, %dma_start3A_29] : memref<224x128xf32, #tpu.memory_space<vmem>> -> memref<112x128xf32, #tpu.memory_space<vmem>>
    %dma_start3A_31 = arith.constant 336 : i32
    %dma_start3A_32 = tpu.memref_slice %arg5[%dma_start3A_31] : memref<448xi32, #tpu.memory_space<vmem>> -> memref<112xi32, #tpu.memory_space<vmem>>
    %dma_start3A_33 = arith.constant 0 : i32
    %dma_start3A_34 = arith.constant 0 : i32
    %dma_start3A_35 = tpu.memref_slice %arg2[%dma_start3A_33, %dma_start3A_34] : memref<100000x128xf32, #tpu.memory_space<hbm>> -> memref<100000x128xf32, #tpu.memory_space<hbm>>
    tpu.enqueue_indirect_dma source(%dma_start3A_35 : memref<100000x128xf32, #tpu.memory_space<hbm>>) target(%dma_start3A_30 : memref<112x128xf32, #tpu.memory_space<vmem>>) offsets(%dma_start3A_32 : memref<112xi32, #tpu.memory_space<vmem>>) semaphore(%arg9 : memref<!tpu.dma_semaphore, #tpu.memory_space<semaphore_mem>>)
    %dma_wait3A = arith.constant 0 : i32
    %dma_wait3A_36 = arith.constant 0 : i32
    %dma_wait3A_37 = tpu.memref_slice %arg6[%dma_wait3A, %dma_wait3A_36] : memref<224x128xf32, #tpu.memory_space<vmem>> -> memref<112x128xf32, #tpu.memory_space<vmem>>
    %dma_wait3A_38 = arith.constant 0 : i32
    %dma_wait3A_39 = tpu.memref_slice %arg5[%dma_wait3A_38] : memref<448xi32, #tpu.memory_space<vmem>> -> memref<112xi32, #tpu.memory_space<vmem>>
    %dma_wait3A_40 = arith.constant 0 : i32
    %dma_wait3A_41 = arith.constant 0 : i32
    %dma_wait3A_42 = tpu.memref_slice %arg2[%dma_wait3A_40, %dma_wait3A_41] : memref<100000x128xf32, #tpu.memory_space<hbm>> -> memref<100000x128xf32, #tpu.memory_space<hbm>>
    tpu.wait_indirect_dma semaphore(%arg8 : memref<!tpu.dma_semaphore, #tpu.memory_space<semaphore_mem>>) src(%dma_wait3A_42 : memref<100000x128xf32, #tpu.memory_space<hbm>>) dst(%dma_wait3A_37 : memref<112x128xf32, #tpu.memory_space<vmem>>)
    %dma_wait3A_43 = arith.constant 112 : i32
    %dma_wait3A_44 = arith.constant 0 : i32
    %dma_wait3A_45 = tpu.memref_slice %arg6[%dma_wait3A_43, %dma_wait3A_44] : memref<224x128xf32, #tpu.memory_space<vmem>> -> memref<112x128xf32, #tpu.memory_space<vmem>>
    %dma_wait3A_46 = arith.constant 112 : i32
    %dma_wait3A_47 = tpu.memref_slice %arg5[%dma_wait3A_46] : memref<448xi32, #tpu.memory_space<vmem>> -> memref<112xi32, #tpu.memory_space<vmem>>
    %dma_wait3A_48 = arith.constant 0 : i32
    %dma_wait3A_49 = arith.constant 0 : i32
    %dma_wait3A_50 = tpu.memref_slice %arg2[%dma_wait3A_48, %dma_wait3A_49] : memref<100000x128xf32, #tpu.memory_space<hbm>> -> memref<100000x128xf32, #tpu.memory_space<hbm>>
    tpu.wait_indirect_dma semaphore(%arg8 : memref<!tpu.dma_semaphore, #tpu.memory_space<semaphore_mem>>) src(%dma_wait3A_50 : memref<100000x128xf32, #tpu.memory_space<hbm>>) dst(%dma_wait3A_45 : memref<112x128xf32, #tpu.memory_space<vmem>>)
    %add3A_51 = arith.constant 0 : i32
    %add3A_52 = arith.addi %mul3A_2, %add3A_51 : i32
    %dma_start3A_53 = arith.constant 0 : i32
    %dma_start3A_54 = tpu.memref_slice %arg4[%add3A_52, %dma_start3A_53] : memref<14336x128xf32, #tpu.memory_space<hbm>> -> memref<224x128xf32, #tpu.memory_space<hbm>>
    %dma_start3A_55 = arith.constant 0 : i32
    %dma_start3A_56 = tpu.memref_slice %arg4[%add3A_52, %dma_start3A_55] : memref<14336x128xf32, #tpu.memory_space<hbm>> -> memref<224x128xf32, #tpu.memory_space<hbm>>
    tpu.enqueue_dma source(%arg6 : memref<224x128xf32, #tpu.memory_space<vmem>>) target(%dma_start3A_56 : memref<224x128xf32, #tpu.memory_space<hbm>>) target_semaphore(%arg10 : memref<!tpu.dma_semaphore, #tpu.memory_space<semaphore_mem>>)
    %dma_wait3A_57 = arith.constant 0 : i32
    %dma_wait3A_58 = arith.constant 0 : i32
    %dma_wait3A_59 = tpu.memref_slice %arg7[%dma_wait3A_57, %dma_wait3A_58] : memref<224x128xf32, #tpu.memory_space<vmem>> -> memref<112x128xf32, #tpu.memory_space<vmem>>
    %dma_wait3A_60 = arith.constant 224 : i32
    %dma_wait3A_61 = tpu.memref_slice %arg5[%dma_wait3A_60] : memref<448xi32, #tpu.memory_space<vmem>> -> memref<112xi32, #tpu.memory_space<vmem>>
    %dma_wait3A_62 = arith.constant 0 : i32
    %dma_wait3A_63 = arith.constant 0 : i32
    %dma_wait3A_64 = tpu.memref_slice %arg2[%dma_wait3A_62, %dma_wait3A_63] : memref<100000x128xf32, #tpu.memory_space<hbm>> -> memref<100000x128xf32, #tpu.memory_space<hbm>>
    tpu.wait_indirect_dma semaphore(%arg9 : memref<!tpu.dma_semaphore, #tpu.memory_space<semaphore_mem>>) src(%dma_wait3A_64 : memref<100000x128xf32, #tpu.memory_space<hbm>>) dst(%dma_wait3A_59 : memref<112x128xf32, #tpu.memory_space<vmem>>)
    %dma_wait3A_65 = arith.constant 112 : i32
    %dma_wait3A_66 = arith.constant 0 : i32
    %dma_wait3A_67 = tpu.memref_slice %arg7[%dma_wait3A_65, %dma_wait3A_66] : memref<224x128xf32, #tpu.memory_space<vmem>> -> memref<112x128xf32, #tpu.memory_space<vmem>>
    %dma_wait3A_68 = arith.constant 336 : i32
    %dma_wait3A_69 = tpu.memref_slice %arg5[%dma_wait3A_68] : memref<448xi32, #tpu.memory_space<vmem>> -> memref<112xi32, #tpu.memory_space<vmem>>
    %dma_wait3A_70 = arith.constant 0 : i32
    %dma_wait3A_71 = arith.constant 0 : i32
    %dma_wait3A_72 = tpu.memref_slice %arg2[%dma_wait3A_70, %dma_wait3A_71] : memref<100000x128xf32, #tpu.memory_space<hbm>> -> memref<100000x128xf32, #tpu.memory_space<hbm>>
    tpu.wait_indirect_dma semaphore(%arg9 : memref<!tpu.dma_semaphore, #tpu.memory_space<semaphore_mem>>) src(%dma_wait3A_72 : memref<100000x128xf32, #tpu.memory_space<hbm>>) dst(%dma_wait3A_67 : memref<112x128xf32, #tpu.memory_space<vmem>>)
    %add3A_73 = arith.constant 224 : i32
    %add3A_74 = arith.addi %mul3A_2, %add3A_73 : i32
    %dma_start3A_75 = arith.constant 0 : i32
    %dma_start3A_76 = tpu.memref_slice %arg4[%add3A_74, %dma_start3A_75] : memref<14336x128xf32, #tpu.memory_space<hbm>> -> memref<224x128xf32, #tpu.memory_space<hbm>>
    %dma_start3A_77 = arith.constant 0 : i32
    %dma_start3A_78 = tpu.memref_slice %arg4[%add3A_74, %dma_start3A_77] : memref<14336x128xf32, #tpu.memory_space<hbm>> -> memref<224x128xf32, #tpu.memory_space<hbm>>
    tpu.enqueue_dma source(%arg7 : memref<224x128xf32, #tpu.memory_space<vmem>>) target(%dma_start3A_78 : memref<224x128xf32, #tpu.memory_space<hbm>>) target_semaphore(%arg11 : memref<!tpu.dma_semaphore, #tpu.memory_space<semaphore_mem>>)
    %dma_wait3A_79 = arith.constant 0 : i32
    %dma_wait3A_80 = tpu.memref_slice %arg4[%add3A_52, %dma_wait3A_79] : memref<14336x128xf32, #tpu.memory_space<hbm>> -> memref<224x128xf32, #tpu.memory_space<hbm>>
    %dma_wait3A_81 = arith.constant 0 : i32
    %dma_wait3A_82 = tpu.memref_slice %arg4[%add3A_52, %dma_wait3A_81] : memref<14336x128xf32, #tpu.memory_space<hbm>> -> memref<224x128xf32, #tpu.memory_space<hbm>>
    tpu.wait_dma2 semaphore(%arg10 : memref<!tpu.dma_semaphore, #tpu.memory_space<semaphore_mem>>) src(%arg6 : memref<224x128xf32, #tpu.memory_space<vmem>>) dst(%dma_wait3A_82 : memref<224x128xf32, #tpu.memory_space<hbm>>)
    %dma_wait3A_83 = arith.constant 0 : i32
    %dma_wait3A_84 = tpu.memref_slice %arg4[%add3A_74, %dma_wait3A_83] : memref<14336x128xf32, #tpu.memory_space<hbm>> -> memref<224x128xf32, #tpu.memory_space<hbm>>
    %dma_wait3A_85 = arith.constant 0 : i32
    %dma_wait3A_86 = tpu.memref_slice %arg4[%add3A_74, %dma_wait3A_85] : memref<14336x128xf32, #tpu.memory_space<hbm>> -> memref<224x128xf32, #tpu.memory_space<hbm>>
    tpu.wait_dma2 semaphore(%arg11 : memref<!tpu.dma_semaphore, #tpu.memory_space<semaphore_mem>>) src(%arg7 : memref<224x128xf32, #tpu.memory_space<vmem>>) dst(%dma_wait3A_86 : memref<224x128xf32, #tpu.memory_space<hbm>>)
    return
  }
}

module attributes {stable_mosaic.version = 14 : i64} {
  func.func @body(%arg0: i32, %arg1: memref<7168x128xf32, #tpu.memory_space<vmem>>, %arg2: memref<1x256xf32, #tpu.memory_space<vmem>>, %arg3: memref<1x128xf32, #tpu.memory_space<vmem>>, %arg4: memref<128x384xbf16, #tpu.memory_space<vmem>>, %arg5: memref<128x256xbf16, #tpu.memory_space<vmem>>, %arg6: memref<256x256xbf16, #tpu.memory_space<vmem>>, %arg7: memref<1x256xf32, #tpu.memory_space<vmem>>, %arg8: memref<1x256xf32, #tpu.memory_space<vmem>>, %arg9: memref<1x128xf32, #tpu.memory_space<vmem>>, %arg10: memref<1x256xf32, #tpu.memory_space<vmem>>, %arg11: memref<1x128xbf16, #tpu.memory_space<vmem>>) attributes {dimension_semantics = [#tpu.dimension_semantics<arbitrary>], iteration_bounds = array<i64: 2>, scalar_prefetch = 0 : i64, scratch_operands = 2 : i64, tpu.core_type = #tpu.core_type<tc>, window_params = [{transform_indices = @transform_0, window_bounds = array<i64: 7168, 128>}, {pipeline_mode = #tpu.pipeline_mode<synchronous>, transform_indices = @transform_1, window_bounds = array<i64: 1, 256>}, {pipeline_mode = #tpu.pipeline_mode<synchronous>, transform_indices = @transform_2, window_bounds = array<i64: 1, 128>}, {pipeline_mode = #tpu.pipeline_mode<synchronous>, transform_indices = @transform_3, window_bounds = array<i64: 128, 384>}, {pipeline_mode = #tpu.pipeline_mode<synchronous>, transform_indices = @transform_4, window_bounds = array<i64: 128, 256>}, {pipeline_mode = #tpu.pipeline_mode<synchronous>, transform_indices = @transform_5, window_bounds = array<i64: 256, 256>}, {pipeline_mode = #tpu.pipeline_mode<synchronous>, transform_indices = @transform_6, window_bounds = array<i64: 1, 256>}, {pipeline_mode = #tpu.pipeline_mode<synchronous>, transform_indices = @transform_7, window_bounds = array<i64: 1, 256>}, {pipeline_mode = #tpu.pipeline_mode<synchronous>, transform_indices = @transform_8, window_bounds = array<i64: 1, 128>}]} {
    %eq3A = arith.constant 0 : i32
    %eq3A_0 = arith.cmpi eq, %arg0, %eq3A : i32
    %convert_element_type3A = arith.extui %eq3A_0 : i1 to i32
    %cond3A = arith.constant 0 : i32
    %cond3A_1 = arith.cmpi ne, %convert_element_type3A, %cond3A : i32
    scf.if %cond3A_1 {
      %get3A_71 = arith.constant 0 : index
      %get3A_72 = arith.constant 0 : index
      %get3A_73 = vector.load %arg2[%get3A_71, %get3A_72] : memref<1x256xf32, #tpu.memory_space<vmem>>, vector<1x256xf32>
      %swap3A_74 = arith.constant 0 : index
      %swap3A_75 = arith.constant 0 : index
      %swap3A_76 = vector.load %arg10[%swap3A_74, %swap3A_75] : memref<1x256xf32, #tpu.memory_space<vmem>>, vector<1x256xf32>
      tpu.vector_store %arg10[%swap3A_74, %swap3A_75], %get3A_73 {strides = array<i32>} : memref<1x256xf32, #tpu.memory_space<vmem>>, vector<1x256xf32>,
      %get3A_77 = arith.constant 0 : index
      %get3A_78 = arith.constant 0 : index
      %get3A_79 = vector.load %arg3[%get3A_77, %get3A_78] : memref<1x128xf32, #tpu.memory_space<vmem>>, vector<1x128xf32>
      %convert_element_type3A_80 = arith.truncf %get3A_79 : vector<1x128xf32> to vector<1x128xbf16>
      %swap3A_81 = arith.constant 0 : index
      %swap3A_82 = arith.constant 0 : index
      %swap3A_83 = vector.load %arg11[%swap3A_81, %swap3A_82] : memref<1x128xbf16, #tpu.memory_space<vmem>>, vector<1x128xbf16>
      tpu.vector_store %arg11[%swap3A_81, %swap3A_82], %convert_element_type3A_80 {strides = array<i32>} : memref<1x128xbf16, #tpu.memory_space<vmem>>, vector<1x128xbf16>,
    } else {
    }
    %get3A = arith.constant 0 : index
    %get3A_2 = arith.constant 0 : index
    %get3A_3 = vector.load %arg1[%get3A, %get3A_2] : memref<7168x128xf32, #tpu.memory_space<vmem>>, vector<7168x128xf32>
    %convert_element_type3A_4 = arith.truncf %get3A_3 : vector<7168x128xf32> to vector<7168x128xbf16>
    %get3A_5 = arith.constant 0 : index
    %get3A_6 = arith.constant 0 : index
    %get3A_7 = vector.load %arg11[%get3A_5, %get3A_6] : memref<1x128xbf16, #tpu.memory_space<vmem>>, vector<1x128xbf16>
    %roll3A = arith.constant 1 : i32
    %roll3A_8 = tpu.dynamic_rotate %convert_element_type3A_4 by %roll3A dim 0 : vector<7168x128xbf16>, i32 -> vector<7168x128xbf16>
    %iota3A = tpu.iota {dimensions = array<i32: 0>} : vector<7168x128xi32>
    %eq3A_9 = arith.constant 0 : i32
    %eq3A_10 = vector.broadcast %eq3A_9 : i32 to vector<7168x128xi32>
    %eq3A_11 = arith.cmpi eq, %iota3A, %eq3A_10 : vector<7168x128xi32>
    %broadcast_in_dim3A = vector.shape_cast %get3A_7 : vector<1x128xbf16> to vector<1x128xbf16>
    %broadcast_in_dim3A_12 = vector.broadcast %broadcast_in_dim3A : vector<1x128xbf16> to vector<7168x128xbf16>
    %select_n3A = arith.select %eq3A_11, %broadcast_in_dim3A_12, %roll3A_8 : vector<7168x128xi1>, vector<7168x128xbf16>
    %slice3A = vector.extract_strided_slice %convert_element_type3A_4 {offsets = [7167, 0], sizes = [1, 128], strides = [1, 1]} : vector<7168x128xbf16> to vector<1x128xbf16>
    %swap3A = arith.constant 0 : index
    %swap3A_13 = arith.constant 0 : index
    %swap3A_14 = vector.load %arg11[%swap3A, %swap3A_13] : memref<1x128xbf16, #tpu.memory_space<vmem>>, vector<1x128xbf16>
    tpu.vector_store %arg11[%swap3A, %swap3A_13], %slice3A {strides = array<i32>} : memref<1x128xbf16, #tpu.memory_space<vmem>>, vector<1x128xbf16>,
    %get3A_15 = arith.constant 0 : index
    %get3A_16 = arith.constant 0 : index
    %get3A_17 = vector.load %arg4[%get3A_15, %get3A_16] : memref<128x384xbf16, #tpu.memory_space<vmem>>, vector<128x384xbf16>
    %dot_general3A = arith.constant dense<0.000000e+00> : vector<7168x384xf32>
    %dot_general3A_18 = tpu.matmul %select_n3A, %get3A_17, %dot_general3A {dimension_numbers = #tpu.dot_dimension_numbers<[1], [0], [0], [1], [0, 0, 1, 1], [], []>, transpose_lhs_hint = false} : vector<7168x128xbf16>, vector<128x384xbf16>, vector<7168x384xf32> -> vector<7168x384xf32>
    %slice3A_19 = vector.extract_strided_slice %dot_general3A_18 {offsets = [0, 0], sizes = [7168, 128], strides = [1, 1]} : vector<7168x384xf32> to vector<7168x128xf32>
    %slice3A_20 = vector.extract_strided_slice %dot_general3A_18 {offsets = [0, 128], sizes = [7168, 128], strides = [1, 1]} : vector<7168x384xf32> to vector<7168x128xf32>
    %slice3A_21 = vector.extract_strided_slice %dot_general3A_18 {offsets = [0, 256], sizes = [7168, 128], strides = [1, 1]} : vector<7168x384xf32> to vector<7168x128xf32>
    %get3A_22 = arith.constant 0 : index
    %get3A_23 = arith.constant 0 : index
    %get3A_24 = vector.load %arg5[%get3A_22, %get3A_23] : memref<128x256xbf16, #tpu.memory_space<vmem>>, vector<128x256xbf16>
    %dot_general3A_25 = arith.constant dense<0.000000e+00> : vector<7168x256xf32>
    %dot_general3A_26 = tpu.matmul %convert_element_type3A_4, %get3A_24, %dot_general3A_25 {dimension_numbers = #tpu.dot_dimension_numbers<[1], [0], [0], [1], [0, 0, 1, 1], [], []>, transpose_lhs_hint = false} : vector<7168x128xbf16>, vector<128x256xbf16>, vector<7168x256xf32> -> vector<7168x256xf32>
    %slice3A_27 = vector.extract_strided_slice %dot_general3A_26 {offsets = [0, 0], sizes = [7168, 128], strides = [1, 1]} : vector<7168x256xf32> to vector<7168x128xf32>
    %slice3A_28 = vector.extract_strided_slice %dot_general3A_26 {offsets = [0, 128], sizes = [7168, 128], strides = [1, 1]} : vector<7168x256xf32> to vector<7168x128xf32>
    %mul3A = arith.constant 2.000000e-01 : f32
    %mul3A_29 = vector.broadcast %mul3A : f32 to vector<7168x128xf32>
    %mul3A_30 = arith.mulf %mul3A_29, %slice3A_28 : vector<7168x128xf32>
    %max3A = arith.maximumf %slice3A_28, %mul3A_30 : vector<7168x128xf32>
    %mul3A_31 = arith.constant 2.000000e-01 : f32
    %mul3A_32 = vector.broadcast %mul3A_31 : f32 to vector<7168x128xf32>
    %mul3A_33 = arith.mulf %mul3A_32, %slice3A_21 : vector<7168x128xf32>
    %max3A_34 = arith.maximumf %slice3A_21, %mul3A_33 : vector<7168x128xf32>
    %sub3A = arith.subf %max3A, %max3A_34 : vector<7168x128xf32>
    %exp3A = math.exp %sub3A : vector<7168x128xf32>
    %add3A = arith.constant 1.000000e+00 : f32
    %add3A_35 = vector.broadcast %add3A : f32 to vector<7168x128xf32>
    %add3A_36 = arith.addf %add3A_35, %exp3A : vector<7168x128xf32>
    %div3A = arith.constant 1.000000e+00 : f32
    %div3A_37 = vector.broadcast %div3A : f32 to vector<7168x128xf32>
    %div3A_38 = arith.divf %div3A_37, %add3A_36 : vector<7168x128xf32>
    %sub3A_39 = arith.subf %slice3A_20, %slice3A_27 : vector<7168x128xf32>
    %mul3A_40 = arith.mulf %div3A_38, %sub3A_39 : vector<7168x128xf32>
    %add3A_41 = arith.addf %slice3A_27, %mul3A_40 : vector<7168x128xf32>
    %add3A_42 = arith.addf %get3A_3, %slice3A_19 : vector<7168x128xf32>
    %concatenate3A = tpu.concatenate %add3A_42, %add3A_41 in 1 : vector<7168x128xf32>, vector<7168x128xf32> -> vector<7168x256xf32>
    %convert_element_type3A_43 = arith.truncf %concatenate3A : vector<7168x256xf32> to vector<7168x256xbf16>
    %get3A_44 = arith.constant 0 : index
    %get3A_45 = arith.constant 0 : index
    %get3A_46 = vector.load %arg6[%get3A_44, %get3A_45] : memref<256x256xbf16, #tpu.memory_space<vmem>>, vector<256x256xbf16>
    %dot_general3A_47 = arith.constant dense<0.000000e+00> : vector<7168x256xf32>
    %dot_general3A_48 = tpu.matmul %convert_element_type3A_43, %get3A_46, %dot_general3A_47 {dimension_numbers = #tpu.dot_dimension_numbers<[1], [0], [0], [1], [0, 0, 1, 1], [], []>, transpose_lhs_hint = false} : vector<7168x256xbf16>, vector<256x256xbf16>, vector<7168x256xf32> -> vector<7168x256xf32>
    %get3A_49 = arith.constant 0 : index
    %get3A_50 = arith.constant 0 : index
    %get3A_51 = vector.load %arg7[%get3A_49, %get3A_50] : memref<1x256xf32, #tpu.memory_space<vmem>>, vector<1x256xf32>
    %add3A_52 = vector.broadcast %get3A_51 : vector<1x256xf32> to vector<7168x256xf32>
    %add3A_53 = arith.addf %dot_general3A_48, %add3A_52 : vector<7168x256xf32>
    %max3A_54 = arith.constant 0.000000e+00 : f32
    %max3A_55 = vector.broadcast %max3A_54 : f32 to vector<7168x256xf32>
    %max3A_56 = arith.maximumf %add3A_53, %max3A_55 : vector<7168x256xf32>
    %get3A_57 = arith.constant 0 : index
    %get3A_58 = arith.constant 0 : index
    %get3A_59 = vector.load %arg10[%get3A_57, %get3A_58] : memref<1x256xf32, #tpu.memory_space<vmem>>, vector<1x256xf32>
    %reduce_sum3A = arith.constant dense<0.000000e+00> : vector<256xf32>
    %reduce_sum3A_60 = vector.multi_reduction <add>, %max3A_56, %reduce_sum3A [0] : vector<7168x256xf32> to vector<256xf32>
    %broadcast_in_dim3A_61 = vector.shape_cast %reduce_sum3A_60 : vector<256xf32> to vector<1x256xf32>
    %add3A_62 = arith.addf %get3A_59, %broadcast_in_dim3A_61 : vector<1x256xf32>
    %swap3A_63 = arith.constant 0 : index
    %swap3A_64 = arith.constant 0 : index
    %swap3A_65 = vector.load %arg10[%swap3A_63, %swap3A_64] : memref<1x256xf32, #tpu.memory_space<vmem>>, vector<1x256xf32>
    tpu.vector_store %arg10[%swap3A_63, %swap3A_64], %add3A_62 {strides = array<i32>} : memref<1x256xf32, #tpu.memory_space<vmem>>, vector<1x256xf32>,
    %eq3A_66 = arith.constant 1 : i32
    %eq3A_67 = arith.cmpi eq, %arg0, %eq3A_66 : i32
    %convert_element_type3A_68 = arith.extui %eq3A_67 : i1 to i32
    %cond3A_69 = arith.constant 0 : i32
    %cond3A_70 = arith.cmpi ne, %convert_element_type3A_68, %cond3A_69 : i32
    scf.if %cond3A_70 {
      %get3A_71 = arith.constant 0 : index
      %get3A_72 = arith.constant 0 : index
      %get3A_73 = vector.load %arg10[%get3A_71, %get3A_72] : memref<1x256xf32, #tpu.memory_space<vmem>>, vector<1x256xf32>
      %swap3A_74 = arith.constant 0 : index
      %swap3A_75 = arith.constant 0 : index
      %swap3A_76 = vector.load %arg8[%swap3A_74, %swap3A_75] : memref<1x256xf32, #tpu.memory_space<vmem>>, vector<1x256xf32>
      tpu.vector_store %arg8[%swap3A_74, %swap3A_75], %get3A_73 {strides = array<i32>} : memref<1x256xf32, #tpu.memory_space<vmem>>, vector<1x256xf32>,
      %get3A_77 = arith.constant 0 : index
      %get3A_78 = arith.constant 0 : index
      %get3A_79 = vector.load %arg11[%get3A_77, %get3A_78] : memref<1x128xbf16, #tpu.memory_space<vmem>>, vector<1x128xbf16>
      %convert_element_type3A_80 = arith.extf %get3A_79 : vector<1x128xbf16> to vector<1x128xf32>
      %swap3A_81 = arith.constant 0 : index
      %swap3A_82 = arith.constant 0 : index
      %swap3A_83 = vector.load %arg9[%swap3A_81, %swap3A_82] : memref<1x128xf32, #tpu.memory_space<vmem>>, vector<1x128xf32>
      tpu.vector_store %arg9[%swap3A_81, %swap3A_82], %convert_element_type3A_80 {strides = array<i32>} : memref<1x128xf32, #tpu.memory_space<vmem>>, vector<1x128xf32>,
    } else {
    }
    return
  }
  func.func @transform_0(%arg0: i32) -> (i32, i32) {
    %c0_i32 = arith.constant 0 : i32
    %c0_i32_0 = arith.constant 0 : i32
    return %arg0, %c0_i32 : i32, i32
  }
  func.func @transform_1(%arg0: i32) -> (i32, i32) {
    %c0_i32 = arith.constant 0 : i32
    %c0_i32_0 = arith.constant 0 : i32
    %c0_i32_1 = arith.constant 0 : i32
    return %c0_i32, %c0_i32_0 : i32, i32
  }
  func.func @transform_2(%arg0: i32) -> (i32, i32) {
    %c0_i32 = arith.constant 0 : i32
    %c0_i32_0 = arith.constant 0 : i32
    %c0_i32_1 = arith.constant 0 : i32
    return %c0_i32, %c0_i32_0 : i32, i32
  }
  func.func @transform_3(%arg0: i32) -> (i32, i32) {
    %c0_i32 = arith.constant 0 : i32
    %c0_i32_0 = arith.constant 0 : i32
    %c0_i32_1 = arith.constant 0 : i32
    return %c0_i32, %c0_i32_0 : i32, i32
  }
  func.func @transform_4(%arg0: i32) -> (i32, i32) {
    %c0_i32 = arith.constant 0 : i32
    %c0_i32_0 = arith.constant 0 : i32
    %c0_i32_1 = arith.constant 0 : i32
    return %c0_i32, %c0_i32_0 : i32, i32
  }
  func.func @transform_5(%arg0: i32) -> (i32, i32) {
    %c0_i32 = arith.constant 0 : i32
    %c0_i32_0 = arith.constant 0 : i32
    %c0_i32_1 = arith.constant 0 : i32
    return %c0_i32, %c0_i32_0 : i32, i32
  }
  func.func @transform_6(%arg0: i32) -> (i32, i32) {
    %c0_i32 = arith.constant 0 : i32
    %c0_i32_0 = arith.constant 0 : i32
    %c0_i32_1 = arith.constant 0 : i32
    return %c0_i32, %c0_i32_0 : i32, i32
  }
  func.func @transform_7(%arg0: i32) -> (i32, i32) {
    %c0_i32 = arith.constant 0 : i32
    %c0_i32_0 = arith.constant 0 : i32
    %c0_i32_1 = arith.constant 0 : i32
    return %c0_i32, %c0_i32_0 : i32, i32
  }
  func.func @transform_8(%arg0: i32) -> (i32, i32) {
    %c0_i32 = arith.constant 0 : i32
    %c0_i32_0 = arith.constant 0 : i32
    %c0_i32_1 = arith.constant 0 : i32
    return %c0_i32, %c0_i32_0 : i32, i32
  }
}

module attributes {stable_mosaic.version = 14 : i64} {
  func.func @body(%arg0: i32, %arg1: memref<7168x128xf32, #tpu.memory_space<vmem>>, %arg2: memref<1x256xf32, #tpu.memory_space<vmem>>, %arg3: memref<1x128xf32, #tpu.memory_space<vmem>>, %arg4: memref<128x384xbf16, #tpu.memory_space<vmem>>, %arg5: memref<128x256xbf16, #tpu.memory_space<vmem>>, %arg6: memref<256x256xbf16, #tpu.memory_space<vmem>>, %arg7: memref<1x256xf32, #tpu.memory_space<vmem>>, %arg8: memref<1x256xf32, #tpu.memory_space<vmem>>, %arg9: memref<1x128xf32, #tpu.memory_space<vmem>>, %arg10: memref<1x256xf32, #tpu.memory_space<vmem>>, %arg11: memref<1x128xbf16, #tpu.memory_space<vmem>>) attributes {dimension_semantics = [#tpu.dimension_semantics<arbitrary>], iteration_bounds = array<i64: 2>, scalar_prefetch = 0 : i64, scratch_operands = 2 : i64, tpu.core_type = #tpu.core_type<tc>, window_params = [{transform_indices = @transform_0, window_bounds = array<i64: 7168, 128>}, {pipeline_mode = #tpu.pipeline_mode<synchronous>, transform_indices = @transform_1, window_bounds = array<i64: 1, 256>}, {pipeline_mode = #tpu.pipeline_mode<synchronous>, transform_indices = @transform_2, window_bounds = array<i64: 1, 128>}, {pipeline_mode = #tpu.pipeline_mode<synchronous>, transform_indices = @transform_3, window_bounds = array<i64: 128, 384>}, {pipeline_mode = #tpu.pipeline_mode<synchronous>, transform_indices = @transform_4, window_bounds = array<i64: 128, 256>}, {pipeline_mode = #tpu.pipeline_mode<synchronous>, transform_indices = @transform_5, window_bounds = array<i64: 256, 256>}, {pipeline_mode = #tpu.pipeline_mode<synchronous>, transform_indices = @transform_6, window_bounds = array<i64: 1, 256>}, {pipeline_mode = #tpu.pipeline_mode<synchronous>, transform_indices = @transform_7, window_bounds = array<i64: 1, 256>}, {pipeline_mode = #tpu.pipeline_mode<synchronous>, transform_indices = @transform_8, window_bounds = array<i64: 1, 128>}]} {
    %eq3A = arith.constant 0 : i32
    %eq3A_0 = arith.cmpi eq, %arg0, %eq3A : i32
    %convert_element_type3A = arith.extui %eq3A_0 : i1 to i32
    %cond3A = arith.constant 0 : i32
    %cond3A_1 = arith.cmpi ne, %convert_element_type3A, %cond3A : i32
    scf.if %cond3A_1 {
      %get3A_71 = arith.constant 0 : index
      %get3A_72 = arith.constant 0 : index
      %get3A_73 = vector.load %arg2[%get3A_71, %get3A_72] : memref<1x256xf32, #tpu.memory_space<vmem>>, vector<1x256xf32>
      %swap3A_74 = arith.constant 0 : index
      %swap3A_75 = arith.constant 0 : index
      %swap3A_76 = vector.load %arg10[%swap3A_74, %swap3A_75] : memref<1x256xf32, #tpu.memory_space<vmem>>, vector<1x256xf32>
      tpu.vector_store %arg10[%swap3A_74, %swap3A_75], %get3A_73 {strides = array<i32>} : memref<1x256xf32, #tpu.memory_space<vmem>>, vector<1x256xf32>,
      %get3A_77 = arith.constant 0 : index
      %get3A_78 = arith.constant 0 : index
      %get3A_79 = vector.load %arg3[%get3A_77, %get3A_78] : memref<1x128xf32, #tpu.memory_space<vmem>>, vector<1x128xf32>
      %convert_element_type3A_80 = arith.truncf %get3A_79 : vector<1x128xf32> to vector<1x128xbf16>
      %swap3A_81 = arith.constant 0 : index
      %swap3A_82 = arith.constant 0 : index
      %swap3A_83 = vector.load %arg11[%swap3A_81, %swap3A_82] : memref<1x128xbf16, #tpu.memory_space<vmem>>, vector<1x128xbf16>
      tpu.vector_store %arg11[%swap3A_81, %swap3A_82], %convert_element_type3A_80 {strides = array<i32>} : memref<1x128xbf16, #tpu.memory_space<vmem>>, vector<1x128xbf16>,
    } else {
    }
    %get3A = arith.constant 0 : index
    %get3A_2 = arith.constant 0 : index
    %get3A_3 = vector.load %arg1[%get3A, %get3A_2] : memref<7168x128xf32, #tpu.memory_space<vmem>>, vector<7168x128xf32>
    %convert_element_type3A_4 = arith.truncf %get3A_3 : vector<7168x128xf32> to vector<7168x128xbf16>
    %get3A_5 = arith.constant 0 : index
    %get3A_6 = arith.constant 0 : index
    %get3A_7 = vector.load %arg11[%get3A_5, %get3A_6] : memref<1x128xbf16, #tpu.memory_space<vmem>>, vector<1x128xbf16>
    %roll3A = arith.constant 1 : i32
    %roll3A_8 = tpu.dynamic_rotate %convert_element_type3A_4 by %roll3A dim 0 : vector<7168x128xbf16>, i32 -> vector<7168x128xbf16>
    %iota3A = tpu.iota {dimensions = array<i32: 0>} : vector<7168x128xi32>
    %eq3A_9 = arith.constant 0 : i32
    %eq3A_10 = vector.broadcast %eq3A_9 : i32 to vector<7168x128xi32>
    %eq3A_11 = arith.cmpi eq, %iota3A, %eq3A_10 : vector<7168x128xi32>
    %broadcast_in_dim3A = vector.shape_cast %get3A_7 : vector<1x128xbf16> to vector<1x128xbf16>
    %broadcast_in_dim3A_12 = vector.broadcast %broadcast_in_dim3A : vector<1x128xbf16> to vector<7168x128xbf16>
    %select_n3A = arith.select %eq3A_11, %broadcast_in_dim3A_12, %roll3A_8 : vector<7168x128xi1>, vector<7168x128xbf16>
    %slice3A = vector.extract_strided_slice %convert_element_type3A_4 {offsets = [7167, 0], sizes = [1, 128], strides = [1, 1]} : vector<7168x128xbf16> to vector<1x128xbf16>
    %swap3A = arith.constant 0 : index
    %swap3A_13 = arith.constant 0 : index
    %swap3A_14 = vector.load %arg11[%swap3A, %swap3A_13] : memref<1x128xbf16, #tpu.memory_space<vmem>>, vector<1x128xbf16>
    tpu.vector_store %arg11[%swap3A, %swap3A_13], %slice3A {strides = array<i32>} : memref<1x128xbf16, #tpu.memory_space<vmem>>, vector<1x128xbf16>,
    %get3A_15 = arith.constant 0 : index
    %get3A_16 = arith.constant 0 : index
    %get3A_17 = vector.load %arg4[%get3A_15, %get3A_16] : memref<128x384xbf16, #tpu.memory_space<vmem>>, vector<128x384xbf16>
    %dot_general3A = arith.constant dense<0.000000e+00> : vector<7168x384xf32>
    %dot_general3A_18 = tpu.matmul %select_n3A, %get3A_17, %dot_general3A {dimension_numbers = #tpu.dot_dimension_numbers<[1], [0], [0], [1], [0, 0, 1, 1], [], []>, transpose_lhs_hint = false} : vector<7168x128xbf16>, vector<128x384xbf16>, vector<7168x384xf32> -> vector<7168x384xf32>
    %slice3A_19 = vector.extract_strided_slice %dot_general3A_18 {offsets = [0, 0], sizes = [7168, 128], strides = [1, 1]} : vector<7168x384xf32> to vector<7168x128xf32>
    %slice3A_20 = vector.extract_strided_slice %dot_general3A_18 {offsets = [0, 128], sizes = [7168, 128], strides = [1, 1]} : vector<7168x384xf32> to vector<7168x128xf32>
    %slice3A_21 = vector.extract_strided_slice %dot_general3A_18 {offsets = [0, 256], sizes = [7168, 128], strides = [1, 1]} : vector<7168x384xf32> to vector<7168x128xf32>
    %get3A_22 = arith.constant 0 : index
    %get3A_23 = arith.constant 0 : index
    %get3A_24 = vector.load %arg5[%get3A_22, %get3A_23] : memref<128x256xbf16, #tpu.memory_space<vmem>>, vector<128x256xbf16>
    %dot_general3A_25 = arith.constant dense<0.000000e+00> : vector<7168x256xf32>
    %dot_general3A_26 = tpu.matmul %convert_element_type3A_4, %get3A_24, %dot_general3A_25 {dimension_numbers = #tpu.dot_dimension_numbers<[1], [0], [0], [1], [0, 0, 1, 1], [], []>, transpose_lhs_hint = false} : vector<7168x128xbf16>, vector<128x256xbf16>, vector<7168x256xf32> -> vector<7168x256xf32>
    %slice3A_27 = vector.extract_strided_slice %dot_general3A_26 {offsets = [0, 0], sizes = [7168, 128], strides = [1, 1]} : vector<7168x256xf32> to vector<7168x128xf32>
    %slice3A_28 = vector.extract_strided_slice %dot_general3A_26 {offsets = [0, 128], sizes = [7168, 128], strides = [1, 1]} : vector<7168x256xf32> to vector<7168x128xf32>
    %mul3A = arith.constant 2.000000e-01 : f32
    %mul3A_29 = vector.broadcast %mul3A : f32 to vector<7168x128xf32>
    %mul3A_30 = arith.mulf %mul3A_29, %slice3A_28 : vector<7168x128xf32>
    %max3A = arith.maximumf %slice3A_28, %mul3A_30 : vector<7168x128xf32>
    %mul3A_31 = arith.constant 2.000000e-01 : f32
    %mul3A_32 = vector.broadcast %mul3A_31 : f32 to vector<7168x128xf32>
    %mul3A_33 = arith.mulf %mul3A_32, %slice3A_21 : vector<7168x128xf32>
    %max3A_34 = arith.maximumf %slice3A_21, %mul3A_33 : vector<7168x128xf32>
    %sub3A = arith.subf %max3A, %max3A_34 : vector<7168x128xf32>
    %exp3A = math.exp %sub3A : vector<7168x128xf32>
    %add3A = arith.constant 1.000000e+00 : f32
    %add3A_35 = vector.broadcast %add3A : f32 to vector<7168x128xf32>
    %add3A_36 = arith.addf %add3A_35, %exp3A : vector<7168x128xf32>
    %div3A = arith.constant 1.000000e+00 : f32
    %div3A_37 = vector.broadcast %div3A : f32 to vector<7168x128xf32>
    %div3A_38 = arith.divf %div3A_37, %add3A_36 : vector<7168x128xf32>
    %sub3A_39 = arith.subf %slice3A_20, %slice3A_27 : vector<7168x128xf32>
    %mul3A_40 = arith.mulf %div3A_38, %sub3A_39 : vector<7168x128xf32>
    %add3A_41 = arith.addf %slice3A_27, %mul3A_40 : vector<7168x128xf32>
    %add3A_42 = arith.addf %get3A_3, %slice3A_19 : vector<7168x128xf32>
    %concatenate3A = tpu.concatenate %add3A_42, %add3A_41 in 1 : vector<7168x128xf32>, vector<7168x128xf32> -> vector<7168x256xf32>
    %convert_element_type3A_43 = arith.truncf %concatenate3A : vector<7168x256xf32> to vector<7168x256xbf16>
    %get3A_44 = arith.constant 0 : index
    %get3A_45 = arith.constant 0 : index
    %get3A_46 = vector.load %arg6[%get3A_44, %get3A_45] : memref<256x256xbf16, #tpu.memory_space<vmem>>, vector<256x256xbf16>
    %dot_general3A_47 = arith.constant dense<0.000000e+00> : vector<7168x256xf32>
    %dot_general3A_48 = tpu.matmul %convert_element_type3A_43, %get3A_46, %dot_general3A_47 {dimension_numbers = #tpu.dot_dimension_numbers<[1], [0], [0], [1], [0, 0, 1, 1], [], []>, transpose_lhs_hint = false} : vector<7168x256xbf16>, vector<256x256xbf16>, vector<7168x256xf32> -> vector<7168x256xf32>
    %get3A_49 = arith.constant 0 : index
    %get3A_50 = arith.constant 0 : index
    %get3A_51 = vector.load %arg7[%get3A_49, %get3A_50] : memref<1x256xf32, #tpu.memory_space<vmem>>, vector<1x256xf32>
    %add3A_52 = vector.broadcast %get3A_51 : vector<1x256xf32> to vector<7168x256xf32>
    %add3A_53 = arith.addf %dot_general3A_48, %add3A_52 : vector<7168x256xf32>
    %max3A_54 = arith.constant 0.000000e+00 : f32
    %max3A_55 = vector.broadcast %max3A_54 : f32 to vector<7168x256xf32>
    %max3A_56 = arith.maximumf %add3A_53, %max3A_55 : vector<7168x256xf32>
    %eq3A_57 = arith.constant 0 : i32
    %eq3A_58 = arith.cmpi eq, %arg0, %eq3A_57 : i32
    %not3A = arith.constant true
    %not3A_59 = arith.xori %eq3A_58, %not3A : i1
    %convert_element_type3A_60 = arith.extui %not3A_59 : i1 to i32
    %cond3A_61 = arith.constant 0 : i32
    %cond3A_62 = arith.cmpi ne, %convert_element_type3A_60, %cond3A_61 : i32
    scf.if %cond3A_62 {
      %get3A_71 = arith.constant 0 : index
      %get3A_72 = arith.constant 0 : index
      %get3A_73 = vector.load %arg10[%get3A_71, %get3A_72] : memref<1x256xf32, #tpu.memory_space<vmem>>, vector<1x256xf32>
      %reduce_sum3A = arith.constant dense<0.000000e+00> : vector<256xf32>
      %reduce_sum3A_74 = vector.multi_reduction <add>, %max3A_56, %reduce_sum3A [0] : vector<7168x256xf32> to vector<256xf32>
      %broadcast_in_dim3A_75 = vector.shape_cast %reduce_sum3A_74 : vector<256xf32> to vector<1x256xf32>
      %add3A_76 = arith.addf %get3A_73, %broadcast_in_dim3A_75 : vector<1x256xf32>
      %swap3A_77 = arith.constant 0 : index
      %swap3A_78 = arith.constant 0 : index
      %swap3A_79 = vector.load %arg10[%swap3A_77, %swap3A_78] : memref<1x256xf32, #tpu.memory_space<vmem>>, vector<1x256xf32>
      tpu.vector_store %arg10[%swap3A_77, %swap3A_78], %add3A_76 {strides = array<i32>} : memref<1x256xf32, #tpu.memory_space<vmem>>, vector<1x256xf32>,
    } else {
    }
    %convert_element_type3A_63 = arith.extui %eq3A_58 : i1 to i32
    %cond3A_64 = arith.constant 0 : i32
    %cond3A_65 = arith.cmpi ne, %convert_element_type3A_63, %cond3A_64 : i32
    scf.if %cond3A_65 {
      %add3A_71 = arith.constant 0 : i32
      %add3A_72 = arith.addi %add3A_71, %arg0 : i32
      %mul3A_73 = arith.constant 7168 : i32
      %mul3A_74 = arith.muli %add3A_72, %mul3A_73 : i32
      %iota3A_75 = tpu.iota {dimensions = array<i32: 0>} : vector<7168x1xi32>
      %add3A_76 = vector.broadcast %mul3A_74 : i32 to vector<7168x1xi32>
      %add3A_77 = arith.addi %add3A_76, %iota3A_75 : vector<7168x1xi32>
      %lt3A = arith.constant 50000 : i32
      %lt3A_78 = vector.broadcast %lt3A : i32 to vector<7168x1xi32>
      %lt3A_79 = arith.cmpi slt, %add3A_77, %lt3A_78 : vector<7168x1xi32>
      %slice3A_80 = vector.extract_strided_slice %max3A_56 {offsets = [0, 0], sizes = [7168, 128], strides = [1, 1]} : vector<7168x256xf32> to vector<7168x128xf32>
      %jit3A = arith.constant 0.000000e+00 : f32
      %broadcast_in_dim3A_81 = vector.shape_cast %lt3A_79 : vector<7168x1xi1> to vector<7168x1xi1>
      %broadcast_in_dim3A_82 = vector.broadcast %broadcast_in_dim3A_81 : vector<7168x1xi1> to vector<7168x128xi1>
      %broadcast_in_dim3A_83 = vector.broadcast %jit3A : f32 to vector<7168x128xf32>
      %select_n3A_84 = arith.select %broadcast_in_dim3A_82, %slice3A_80, %broadcast_in_dim3A_83 : vector<7168x128xi1>, vector<7168x128xf32>
      %ge3A = arith.constant 1 : i32
      %ge3A_85 = vector.broadcast %ge3A : i32 to vector<7168x1xi32>
      %ge3A_86 = arith.cmpi sge, %add3A_77, %ge3A_85 : vector<7168x1xi32>
      %le3A = arith.constant 49999 : i32
      %le3A_87 = vector.broadcast %le3A : i32 to vector<7168x1xi32>
      %le3A_88 = arith.cmpi sle, %add3A_77, %le3A_87 : vector<7168x1xi32>
      %and3A = arith.andi %ge3A_86, %le3A_88 : vector<7168x1xi1>
      %slice3A_89 = vector.extract_strided_slice %max3A_56 {offsets = [0, 128], sizes = [7168, 128], strides = [1, 1]} : vector<7168x256xf32> to vector<7168x128xf32>
      %jit3A_90 = arith.constant 0.000000e+00 : f32
      %broadcast_in_dim3A_91 = vector.shape_cast %and3A : vector<7168x1xi1> to vector<7168x1xi1>
      %broadcast_in_dim3A_92 = vector.broadcast %broadcast_in_dim3A_91 : vector<7168x1xi1> to vector<7168x128xi1>
      %broadcast_in_dim3A_93 = vector.broadcast %jit3A_90 : f32 to vector<7168x128xf32>
      %select_n3A_94 = arith.select %broadcast_in_dim3A_92, %slice3A_89, %broadcast_in_dim3A_93 : vector<7168x128xi1>, vector<7168x128xf32>
      %get3A_95 = arith.constant 0 : index
      %get3A_96 = arith.constant 0 : index
      %get3A_97 = vector.load %arg10[%get3A_95, %get3A_96] : memref<1x256xf32, #tpu.memory_space<vmem>>, vector<1x128xf32>
      %reduce_sum3A = arith.constant dense<0.000000e+00> : vector<128xf32>
      %reduce_sum3A_98 = vector.multi_reduction <add>, %select_n3A_84, %reduce_sum3A [0] : vector<7168x128xf32> to vector<128xf32>
      %broadcast_in_dim3A_99 = vector.shape_cast %reduce_sum3A_98 : vector<128xf32> to vector<1x128xf32>
      %add3A_100 = arith.addf %get3A_97, %broadcast_in_dim3A_99 : vector<1x128xf32>
      %swap3A_101 = arith.constant 0 : index
      %swap3A_102 = arith.constant 0 : index
      %swap3A_103 = vector.load %arg10[%swap3A_101, %swap3A_102] : memref<1x256xf32, #tpu.memory_space<vmem>>, vector<1x128xf32>
      tpu.vector_store %arg10[%swap3A_101, %swap3A_102], %add3A_100 {strides = array<i32>} : memref<1x256xf32, #tpu.memory_space<vmem>>, vector<1x128xf32>,
      %get3A_104 = arith.constant 0 : index
      %get3A_105 = arith.constant 128 : index
      %get3A_106 = vector.load %arg10[%get3A_104, %get3A_105] : memref<1x256xf32, #tpu.memory_space<vmem>>, vector<1x128xf32>
      %reduce_sum3A_107 = arith.constant dense<0.000000e+00> : vector<128xf32>
      %reduce_sum3A_108 = vector.multi_reduction <add>, %select_n3A_94, %reduce_sum3A_107 [0] : vector<7168x128xf32> to vector<128xf32>
      %broadcast_in_dim3A_109 = vector.shape_cast %reduce_sum3A_108 : vector<128xf32> to vector<1x128xf32>
      %add3A_110 = arith.addf %get3A_106, %broadcast_in_dim3A_109 : vector<1x128xf32>
      %swap3A_111 = arith.constant 0 : index
      %swap3A_112 = arith.constant 128 : index
      %swap3A_113 = vector.load %arg10[%swap3A_111, %swap3A_112] : memref<1x256xf32, #tpu.memory_space<vmem>>, vector<1x128xf32>
      tpu.vector_store %arg10[%swap3A_111, %swap3A_112], %add3A_110 {strides = array<i32>} : memref<1x256xf32, #tpu.memory_space<vmem>>, vector<1x128xf32>,
    } else {
    }
    %eq3A_66 = arith.constant 1 : i32
    %eq3A_67 = arith.cmpi eq, %arg0, %eq3A_66 : i32
    %convert_element_type3A_68 = arith.extui %eq3A_67 : i1 to i32
    %cond3A_69 = arith.constant 0 : i32
    %cond3A_70 = arith.cmpi ne, %convert_element_type3A_68, %cond3A_69 : i32
    scf.if %cond3A_70 {
      %get3A_71 = arith.constant 0 : index
      %get3A_72 = arith.constant 0 : index
      %get3A_73 = vector.load %arg10[%get3A_71, %get3A_72] : memref<1x256xf32, #tpu.memory_space<vmem>>, vector<1x256xf32>
      %swap3A_74 = arith.constant 0 : index
      %swap3A_75 = arith.constant 0 : index
      %swap3A_76 = vector.load %arg8[%swap3A_74, %swap3A_75] : memref<1x256xf32, #tpu.memory_space<vmem>>, vector<1x256xf32>
      tpu.vector_store %arg8[%swap3A_74, %swap3A_75], %get3A_73 {strides = array<i32>} : memref<1x256xf32, #tpu.memory_space<vmem>>, vector<1x256xf32>,
      %get3A_77 = arith.constant 0 : index
      %get3A_78 = arith.constant 0 : index
      %get3A_79 = vector.load %arg11[%get3A_77, %get3A_78] : memref<1x128xbf16, #tpu.memory_space<vmem>>, vector<1x128xbf16>
      %convert_element_type3A_80 = arith.extf %get3A_79 : vector<1x128xbf16> to vector<1x128xf32>
      %swap3A_81 = arith.constant 0 : index
      %swap3A_82 = arith.constant 0 : index
      %swap3A_83 = vector.load %arg9[%swap3A_81, %swap3A_82] : memref<1x128xf32, #tpu.memory_space<vmem>>, vector<1x128xf32>
      tpu.vector_store %arg9[%swap3A_81, %swap3A_82], %convert_element_type3A_80 {strides = array<i32>} : memref<1x128xf32, #tpu.memory_space<vmem>>, vector<1x128xf32>,
    } else {
    }
    return
  }
  func.func @transform_0(%arg0: i32) -> (i32, i32) {
    %c0_i32 = arith.constant 0 : i32
    %c0_i32_0 = arith.constant 0 : i32
    return %arg0, %c0_i32 : i32, i32
  }
  func.func @transform_1(%arg0: i32) -> (i32, i32) {
    %c0_i32 = arith.constant 0 : i32
    %c0_i32_0 = arith.constant 0 : i32
    %c0_i32_1 = arith.constant 0 : i32
    return %c0_i32, %c0_i32_0 : i32, i32
  }
  func.func @transform_2(%arg0: i32) -> (i32, i32) {
    %c0_i32 = arith.constant 0 : i32
    %c0_i32_0 = arith.constant 0 : i32
    %c0_i32_1 = arith.constant 0 : i32
    return %c0_i32, %c0_i32_0 : i32, i32
  }
  func.func @transform_3(%arg0: i32) -> (i32, i32) {
    %c0_i32 = arith.constant 0 : i32
    %c0_i32_0 = arith.constant 0 : i32
    %c0_i32_1 = arith.constant 0 : i32
    return %c0_i32, %c0_i32_0 : i32, i32
  }
  func.func @transform_4(%arg0: i32) -> (i32, i32) {
    %c0_i32 = arith.constant 0 : i32
    %c0_i32_0 = arith.constant 0 : i32
    %c0_i32_1 = arith.constant 0 : i32
    return %c0_i32, %c0_i32_0 : i32, i32
  }
  func.func @transform_5(%arg0: i32) -> (i32, i32) {
    %c0_i32 = arith.constant 0 : i32
    %c0_i32_0 = arith.constant 0 : i32
    %c0_i32_1 = arith.constant 0 : i32
    return %c0_i32, %c0_i32_0 : i32, i32
  }
  func.func @transform_6(%arg0: i32) -> (i32, i32) {
    %c0_i32 = arith.constant 0 : i32
    %c0_i32_0 = arith.constant 0 : i32
    %c0_i32_1 = arith.constant 0 : i32
    return %c0_i32, %c0_i32_0 : i32, i32
  }
  func.func @transform_7(%arg0: i32) -> (i32, i32) {
    %c0_i32 = arith.constant 0 : i32
    %c0_i32_0 = arith.constant 0 : i32
    %c0_i32_1 = arith.constant 0 : i32
    return %c0_i32, %c0_i32_0 : i32, i32
  }
  func.func @transform_8(%arg0: i32) -> (i32, i32) {
    %c0_i32 = arith.constant 0 : i32
    %c0_i32_0 = arith.constant 0 : i32
    %c0_i32_1 = arith.constant 0 : i32
    return %c0_i32, %c0_i32_0 : i32, i32
  }
}

module attributes {stable_mosaic.version = 14 : i64} {
  func.func @body(%arg0: i32, %arg1: memref<7168x128xf32, #tpu.memory_space<vmem>>, %arg2: memref<1x256xf32, #tpu.memory_space<vmem>>, %arg3: memref<1x128xf32, #tpu.memory_space<vmem>>, %arg4: memref<128x384xbf16, #tpu.memory_space<vmem>>, %arg5: memref<128x256xbf16, #tpu.memory_space<vmem>>, %arg6: memref<256x256xbf16, #tpu.memory_space<vmem>>, %arg7: memref<1x256xf32, #tpu.memory_space<vmem>>, %arg8: memref<128x128xf32, #tpu.memory_space<vmem>>, %arg9: memref<128x128xf32, #tpu.memory_space<vmem>>, %arg10: memref<128x128xf32, #tpu.memory_space<vmem>>, %arg11: memref<128x128xf32, #tpu.memory_space<vmem>>, %arg12: memref<1x128xf32, #tpu.memory_space<vmem>>, %arg13: memref<1x128xf32, #tpu.memory_space<vmem>>, %arg14: memref<1x128xf32, #tpu.memory_space<vmem>>, %arg15: memref<1x128xf32, #tpu.memory_space<vmem>>, %arg16: memref<1x128xf32, #tpu.memory_space<vmem>>, %arg17: memref<1x128xf32, #tpu.memory_space<vmem>>, %arg18: memref<1x256xf32, #tpu.memory_space<vmem>>, %arg19: memref<1x128xf32, #tpu.memory_space<vmem>>, %arg20: memref<1x128xf32, #tpu.memory_space<vmem>>, %arg21: memref<3x128xf32, #tpu.memory_space<vmem>>, %arg22: memref<1x128xf32, #tpu.memory_space<vmem>>, %arg23: memref<1x256xf32, #tpu.memory_space<vmem>>, %arg24: memref<1x128xbf16, #tpu.memory_space<vmem>>) attributes {dimension_semantics = [#tpu.dimension_semantics<arbitrary>], iteration_bounds = array<i64: 1>, scalar_prefetch = 0 : i64, scratch_operands = 2 : i64, tpu.core_type = #tpu.core_type<tc>, window_params = [{transform_indices = @transform_0, window_bounds = array<i64: 7168, 128>}, {pipeline_mode = #tpu.pipeline_mode<synchronous>, transform_indices = @transform_1, window_bounds = array<i64: 1, 256>}, {pipeline_mode = #tpu.pipeline_mode<synchronous>, transform_indices = @transform_2, window_bounds = array<i64: 1, 128>}, {pipeline_mode = #tpu.pipeline_mode<synchronous>, transform_indices = @transform_3, window_bounds = array<i64: 128, 384>}, {pipeline_mode = #tpu.pipeline_mode<synchronous>, transform_indices = @transform_4, window_bounds = array<i64: 128, 256>}, {pipeline_mode = #tpu.pipeline_mode<synchronous>, transform_indices = @transform_5, window_bounds = array<i64: 256, 256>}, {pipeline_mode = #tpu.pipeline_mode<synchronous>, transform_indices = @transform_6, window_bounds = array<i64: 1, 256>}, {pipeline_mode = #tpu.pipeline_mode<synchronous>, transform_indices = @transform_7, window_bounds = array<i64: 128, 128>}, {pipeline_mode = #tpu.pipeline_mode<synchronous>, transform_indices = @transform_8, window_bounds = array<i64: 128, 128>}, {pipeline_mode = #tpu.pipeline_mode<synchronous>, transform_indices = @transform_9, window_bounds = array<i64: 128, 128>}, {pipeline_mode = #tpu.pipeline_mode<synchronous>, transform_indices = @transform_10, window_bounds = array<i64: 128, 128>}, {pipeline_mode = #tpu.pipeline_mode<synchronous>, transform_indices = @transform_11, window_bounds = array<i64: 1, 128>}, {pipeline_mode = #tpu.pipeline_mode<synchronous>, transform_indices = @transform_12, window_bounds = array<i64: 1, 128>}, {pipeline_mode = #tpu.pipeline_mode<synchronous>, transform_indices = @transform_13, window_bounds = array<i64: 1, 128>}, {pipeline_mode = #tpu.pipeline_mode<synchronous>, transform_indices = @transform_14, window_bounds = array<i64: 1, 128>}, {pipeline_mode = #tpu.pipeline_mode<synchronous>, transform_indices = @transform_15, window_bounds = array<i64: 1, 128>}, {pipeline_mode = #tpu.pipeline_mode<synchronous>, transform_indices = @transform_16, window_bounds = array<i64: 1, 128>}, {pipeline_mode = #tpu.pipeline_mode<synchronous>, transform_indices = @transform_17, window_bounds = array<i64: 1, 256>}, {pipeline_mode = #tpu.pipeline_mode<synchronous>, transform_indices = @transform_18, window_bounds = array<i64: 1, 128>}, {pipeline_mode = #tpu.pipeline_mode<synchronous>, transform_indices = @transform_19, window_bounds = array<i64: 1, 128>}, {pipeline_mode = #tpu.pipeline_mode<synchronous>, transform_indices = @transform_20, window_bounds = array<i64: 3, 128>}, {pipeline_mode = #tpu.pipeline_mode<synchronous>, transform_indices = @transform_21, window_bounds = array<i64: 1, 128>}]} {
    %eq3A = arith.constant 0 : i32
    %eq3A_0 = arith.cmpi eq, %arg0, %eq3A : i32
    %convert_element_type3A = arith.extui %eq3A_0 : i1 to i32
    %cond3A = arith.constant 0 : i32
    %cond3A_1 = arith.cmpi ne, %convert_element_type3A, %cond3A : i32
    scf.if %cond3A_1 {
      %get3A_71 = arith.constant 0 : index
      %get3A_72 = arith.constant 0 : index
      %get3A_73 = vector.load %arg2[%get3A_71, %get3A_72] : memref<1x256xf32, #tpu.memory_space<vmem>>, vector<1x256xf32>
      %swap3A_74 = arith.constant 0 : index
      %swap3A_75 = arith.constant 0 : index
      %swap3A_76 = vector.load %arg23[%swap3A_74, %swap3A_75] : memref<1x256xf32, #tpu.memory_space<vmem>>, vector<1x256xf32>
      tpu.vector_store %arg23[%swap3A_74, %swap3A_75], %get3A_73 {strides = array<i32>} : memref<1x256xf32, #tpu.memory_space<vmem>>, vector<1x256xf32>,
      %get3A_77 = arith.constant 0 : index
      %get3A_78 = arith.constant 0 : index
      %get3A_79 = vector.load %arg3[%get3A_77, %get3A_78] : memref<1x128xf32, #tpu.memory_space<vmem>>, vector<1x128xf32>
      %convert_element_type3A_80 = arith.truncf %get3A_79 : vector<1x128xf32> to vector<1x128xbf16>
      %swap3A_81 = arith.constant 0 : index
      %swap3A_82 = arith.constant 0 : index
      %swap3A_83 = vector.load %arg24[%swap3A_81, %swap3A_82] : memref<1x128xbf16, #tpu.memory_space<vmem>>, vector<1x128xbf16>
      tpu.vector_store %arg24[%swap3A_81, %swap3A_82], %convert_element_type3A_80 {strides = array<i32>} : memref<1x128xbf16, #tpu.memory_space<vmem>>, vector<1x128xbf16>,
    } else {
    }
    %get3A = arith.constant 0 : index
    %get3A_2 = arith.constant 0 : index
    %get3A_3 = vector.load %arg1[%get3A, %get3A_2] : memref<7168x128xf32, #tpu.memory_space<vmem>>, vector<7168x128xf32>
    %convert_element_type3A_4 = arith.truncf %get3A_3 : vector<7168x128xf32> to vector<7168x128xbf16>
    %get3A_5 = arith.constant 0 : index
    %get3A_6 = arith.constant 0 : index
    %get3A_7 = vector.load %arg24[%get3A_5, %get3A_6] : memref<1x128xbf16, #tpu.memory_space<vmem>>, vector<1x128xbf16>
    %roll3A = arith.constant 1 : i32
    %roll3A_8 = tpu.dynamic_rotate %convert_element_type3A_4 by %roll3A dim 0 : vector<7168x128xbf16>, i32 -> vector<7168x128xbf16>
    %iota3A = tpu.iota {dimensions = array<i32: 0>} : vector<7168x128xi32>
    %eq3A_9 = arith.constant 0 : i32
    %eq3A_10 = vector.broadcast %eq3A_9 : i32 to vector<7168x128xi32>
    %eq3A_11 = arith.cmpi eq, %iota3A, %eq3A_10 : vector<7168x128xi32>
    %broadcast_in_dim3A = vector.shape_cast %get3A_7 : vector<1x128xbf16> to vector<1x128xbf16>
    %broadcast_in_dim3A_12 = vector.broadcast %broadcast_in_dim3A : vector<1x128xbf16> to vector<7168x128xbf16>
    %select_n3A = arith.select %eq3A_11, %broadcast_in_dim3A_12, %roll3A_8 : vector<7168x128xi1>, vector<7168x128xbf16>
    %slice3A = vector.extract_strided_slice %convert_element_type3A_4 {offsets = [7167, 0], sizes = [1, 128], strides = [1, 1]} : vector<7168x128xbf16> to vector<1x128xbf16>
    %swap3A = arith.constant 0 : index
    %swap3A_13 = arith.constant 0 : index
    %swap3A_14 = vector.load %arg24[%swap3A, %swap3A_13] : memref<1x128xbf16, #tpu.memory_space<vmem>>, vector<1x128xbf16>
    tpu.vector_store %arg24[%swap3A, %swap3A_13], %slice3A {strides = array<i32>} : memref<1x128xbf16, #tpu.memory_space<vmem>>, vector<1x128xbf16>,
    %get3A_15 = arith.constant 0 : index
    %get3A_16 = arith.constant 0 : index
    %get3A_17 = vector.load %arg4[%get3A_15, %get3A_16] : memref<128x384xbf16, #tpu.memory_space<vmem>>, vector<128x384xbf16>
    %dot_general3A = arith.constant dense<0.000000e+00> : vector<7168x384xf32>
    %dot_general3A_18 = tpu.matmul %select_n3A, %get3A_17, %dot_general3A {dimension_numbers = #tpu.dot_dimension_numbers<[1], [0], [0], [1], [0, 0, 1, 1], [], []>, transpose_lhs_hint = false} : vector<7168x128xbf16>, vector<128x384xbf16>, vector<7168x384xf32> -> vector<7168x384xf32>
    %slice3A_19 = vector.extract_strided_slice %dot_general3A_18 {offsets = [0, 0], sizes = [7168, 128], strides = [1, 1]} : vector<7168x384xf32> to vector<7168x128xf32>
    %slice3A_20 = vector.extract_strided_slice %dot_general3A_18 {offsets = [0, 128], sizes = [7168, 128], strides = [1, 1]} : vector<7168x384xf32> to vector<7168x128xf32>
    %slice3A_21 = vector.extract_strided_slice %dot_general3A_18 {offsets = [0, 256], sizes = [7168, 128], strides = [1, 1]} : vector<7168x384xf32> to vector<7168x128xf32>
    %get3A_22 = arith.constant 0 : index
    %get3A_23 = arith.constant 0 : index
    %get3A_24 = vector.load %arg5[%get3A_22, %get3A_23] : memref<128x256xbf16, #tpu.memory_space<vmem>>, vector<128x256xbf16>
    %dot_general3A_25 = arith.constant dense<0.000000e+00> : vector<7168x256xf32>
    %dot_general3A_26 = tpu.matmul %convert_element_type3A_4, %get3A_24, %dot_general3A_25 {dimension_numbers = #tpu.dot_dimension_numbers<[1], [0], [0], [1], [0, 0, 1, 1], [], []>, transpose_lhs_hint = false} : vector<7168x128xbf16>, vector<128x256xbf16>, vector<7168x256xf32> -> vector<7168x256xf32>
    %slice3A_27 = vector.extract_strided_slice %dot_general3A_26 {offsets = [0, 0], sizes = [7168, 128], strides = [1, 1]} : vector<7168x256xf32> to vector<7168x128xf32>
    %slice3A_28 = vector.extract_strided_slice %dot_general3A_26 {offsets = [0, 128], sizes = [7168, 128], strides = [1, 1]} : vector<7168x256xf32> to vector<7168x128xf32>
    %mul3A = arith.constant 2.000000e-01 : f32
    %mul3A_29 = vector.broadcast %mul3A : f32 to vector<7168x128xf32>
    %mul3A_30 = arith.mulf %mul3A_29, %slice3A_28 : vector<7168x128xf32>
    %max3A = arith.maximumf %slice3A_28, %mul3A_30 : vector<7168x128xf32>
    %mul3A_31 = arith.constant 2.000000e-01 : f32
    %mul3A_32 = vector.broadcast %mul3A_31 : f32 to vector<7168x128xf32>
    %mul3A_33 = arith.mulf %mul3A_32, %slice3A_21 : vector<7168x128xf32>
    %max3A_34 = arith.maximumf %slice3A_21, %mul3A_33 : vector<7168x128xf32>
    %sub3A = arith.subf %max3A, %max3A_34 : vector<7168x128xf32>
    %exp3A = math.exp %sub3A : vector<7168x128xf32>
    %add3A = arith.constant 1.000000e+00 : f32
    %add3A_35 = vector.broadcast %add3A : f32 to vector<7168x128xf32>
    %add3A_36 = arith.addf %add3A_35, %exp3A : vector<7168x128xf32>
    %div3A = arith.constant 1.000000e+00 : f32
    %div3A_37 = vector.broadcast %div3A : f32 to vector<7168x128xf32>
    %div3A_38 = arith.divf %div3A_37, %add3A_36 : vector<7168x128xf32>
    %sub3A_39 = arith.subf %slice3A_20, %slice3A_27 : vector<7168x128xf32>
    %mul3A_40 = arith.mulf %div3A_38, %sub3A_39 : vector<7168x128xf32>
    %add3A_41 = arith.addf %slice3A_27, %mul3A_40 : vector<7168x128xf32>
    %add3A_42 = arith.addf %get3A_3, %slice3A_19 : vector<7168x128xf32>
    %concatenate3A = tpu.concatenate %add3A_42, %add3A_41 in 1 : vector<7168x128xf32>, vector<7168x128xf32> -> vector<7168x256xf32>
    %convert_element_type3A_43 = arith.truncf %concatenate3A : vector<7168x256xf32> to vector<7168x256xbf16>
    %get3A_44 = arith.constant 0 : index
    %get3A_45 = arith.constant 0 : index
    %get3A_46 = vector.load %arg6[%get3A_44, %get3A_45] : memref<256x256xbf16, #tpu.memory_space<vmem>>, vector<256x256xbf16>
    %dot_general3A_47 = arith.constant dense<0.000000e+00> : vector<7168x256xf32>
    %dot_general3A_48 = tpu.matmul %convert_element_type3A_43, %get3A_46, %dot_general3A_47 {dimension_numbers = #tpu.dot_dimension_numbers<[1], [0], [0], [1], [0, 0, 1, 1], [], []>, transpose_lhs_hint = false} : vector<7168x256xbf16>, vector<256x256xbf16>, vector<7168x256xf32> -> vector<7168x256xf32>
    %get3A_49 = arith.constant 0 : index
    %get3A_50 = arith.constant 0 : index
    %get3A_51 = vector.load %arg7[%get3A_49, %get3A_50] : memref<1x256xf32, #tpu.memory_space<vmem>>, vector<1x256xf32>
    %add3A_52 = vector.broadcast %get3A_51 : vector<1x256xf32> to vector<7168x256xf32>
    %add3A_53 = arith.addf %dot_general3A_48, %add3A_52 : vector<7168x256xf32>
    %max3A_54 = arith.constant 0.000000e+00 : f32
    %max3A_55 = vector.broadcast %max3A_54 : f32 to vector<7168x256xf32>
    %max3A_56 = arith.maximumf %add3A_53, %max3A_55 : vector<7168x256xf32>
    %eq3A_57 = arith.constant 0 : i32
    %eq3A_58 = arith.cmpi eq, %arg0, %eq3A_57 : i32
    %not3A = arith.constant true
    %not3A_59 = arith.xori %eq3A_58, %not3A : i1
    %convert_element_type3A_60 = arith.extui %not3A_59 : i1 to i32
    %cond3A_61 = arith.constant 0 : i32
    %cond3A_62 = arith.cmpi ne, %convert_element_type3A_60, %cond3A_61 : i32
    scf.if %cond3A_62 {
      %get3A_71 = arith.constant 0 : index
      %get3A_72 = arith.constant 0 : index
      %get3A_73 = vector.load %arg23[%get3A_71, %get3A_72] : memref<1x256xf32, #tpu.memory_space<vmem>>, vector<1x256xf32>
      %reduce_sum3A = arith.constant dense<0.000000e+00> : vector<256xf32>
      %reduce_sum3A_74 = vector.multi_reduction <add>, %max3A_56, %reduce_sum3A [0] : vector<7168x256xf32> to vector<256xf32>
      %broadcast_in_dim3A_75 = vector.shape_cast %reduce_sum3A_74 : vector<256xf32> to vector<1x256xf32>
      %add3A_76 = arith.addf %get3A_73, %broadcast_in_dim3A_75 : vector<1x256xf32>
      %swap3A_77 = arith.constant 0 : index
      %swap3A_78 = arith.constant 0 : index
      %swap3A_79 = vector.load %arg23[%swap3A_77, %swap3A_78] : memref<1x256xf32, #tpu.memory_space<vmem>>, vector<1x256xf32>
      tpu.vector_store %arg23[%swap3A_77, %swap3A_78], %add3A_76 {strides = array<i32>} : memref<1x256xf32, #tpu.memory_space<vmem>>, vector<1x256xf32>,
    } else {
    }
    %convert_element_type3A_63 = arith.extui %eq3A_58 : i1 to i32
    %cond3A_64 = arith.constant 0 : i32
    %cond3A_65 = arith.cmpi ne, %convert_element_type3A_63, %cond3A_64 : i32
    scf.if %cond3A_65 {
      %add3A_71 = arith.constant 6 : i32
      %add3A_72 = arith.addi %add3A_71, %arg0 : i32
      %mul3A_73 = arith.constant 7168 : i32
      %mul3A_74 = arith.muli %add3A_72, %mul3A_73 : i32
      %iota3A_75 = tpu.iota {dimensions = array<i32: 0>} : vector<7168x1xi32>
      %add3A_76 = vector.broadcast %mul3A_74 : i32 to vector<7168x1xi32>
      %add3A_77 = arith.addi %add3A_76, %iota3A_75 : vector<7168x1xi32>
      %lt3A = arith.constant 50000 : i32
      %lt3A_78 = vector.broadcast %lt3A : i32 to vector<7168x1xi32>
      %lt3A_79 = arith.cmpi slt, %add3A_77, %lt3A_78 : vector<7168x1xi32>
      %slice3A_80 = vector.extract_strided_slice %max3A_56 {offsets = [0, 0], sizes = [7168, 128], strides = [1, 1]} : vector<7168x256xf32> to vector<7168x128xf32>
      %jit3A = arith.constant 0.000000e+00 : f32
      %broadcast_in_dim3A_81 = vector.shape_cast %lt3A_79 : vector<7168x1xi1> to vector<7168x1xi1>
      %broadcast_in_dim3A_82 = vector.broadcast %broadcast_in_dim3A_81 : vector<7168x1xi1> to vector<7168x128xi1>
      %broadcast_in_dim3A_83 = vector.broadcast %jit3A : f32 to vector<7168x128xf32>
      %select_n3A_84 = arith.select %broadcast_in_dim3A_82, %slice3A_80, %broadcast_in_dim3A_83 : vector<7168x128xi1>, vector<7168x128xf32>
      %ge3A = arith.constant 1 : i32
      %ge3A_85 = vector.broadcast %ge3A : i32 to vector<7168x1xi32>
      %ge3A_86 = arith.cmpi sge, %add3A_77, %ge3A_85 : vector<7168x1xi32>
      %le3A = arith.constant 49999 : i32
      %le3A_87 = vector.broadcast %le3A : i32 to vector<7168x1xi32>
      %le3A_88 = arith.cmpi sle, %add3A_77, %le3A_87 : vector<7168x1xi32>
      %and3A = arith.andi %ge3A_86, %le3A_88 : vector<7168x1xi1>
      %slice3A_89 = vector.extract_strided_slice %max3A_56 {offsets = [0, 128], sizes = [7168, 128], strides = [1, 1]} : vector<7168x256xf32> to vector<7168x128xf32>
      %jit3A_90 = arith.constant 0.000000e+00 : f32
      %broadcast_in_dim3A_91 = vector.shape_cast %and3A : vector<7168x1xi1> to vector<7168x1xi1>
      %broadcast_in_dim3A_92 = vector.broadcast %broadcast_in_dim3A_91 : vector<7168x1xi1> to vector<7168x128xi1>
      %broadcast_in_dim3A_93 = vector.broadcast %jit3A_90 : f32 to vector<7168x128xf32>
      %select_n3A_94 = arith.select %broadcast_in_dim3A_92, %slice3A_89, %broadcast_in_dim3A_93 : vector<7168x128xi1>, vector<7168x128xf32>
      %get3A_95 = arith.constant 0 : index
      %get3A_96 = arith.constant 0 : index
      %get3A_97 = vector.load %arg23[%get3A_95, %get3A_96] : memref<1x256xf32, #tpu.memory_space<vmem>>, vector<1x128xf32>
      %reduce_sum3A = arith.constant dense<0.000000e+00> : vector<128xf32>
      %reduce_sum3A_98 = vector.multi_reduction <add>, %select_n3A_84, %reduce_sum3A [0] : vector<7168x128xf32> to vector<128xf32>
      %broadcast_in_dim3A_99 = vector.shape_cast %reduce_sum3A_98 : vector<128xf32> to vector<1x128xf32>
      %add3A_100 = arith.addf %get3A_97, %broadcast_in_dim3A_99 : vector<1x128xf32>
      %swap3A_101 = arith.constant 0 : index
      %swap3A_102 = arith.constant 0 : index
      %swap3A_103 = vector.load %arg23[%swap3A_101, %swap3A_102] : memref<1x256xf32, #tpu.memory_space<vmem>>, vector<1x128xf32>
      tpu.vector_store %arg23[%swap3A_101, %swap3A_102], %add3A_100 {strides = array<i32>} : memref<1x256xf32, #tpu.memory_space<vmem>>, vector<1x128xf32>,
      %get3A_104 = arith.constant 0 : index
      %get3A_105 = arith.constant 128 : index
      %get3A_106 = vector.load %arg23[%get3A_104, %get3A_105] : memref<1x256xf32, #tpu.memory_space<vmem>>, vector<1x128xf32>
      %reduce_sum3A_107 = arith.constant dense<0.000000e+00> : vector<128xf32>
      %reduce_sum3A_108 = vector.multi_reduction <add>, %select_n3A_94, %reduce_sum3A_107 [0] : vector<7168x128xf32> to vector<128xf32>
      %broadcast_in_dim3A_109 = vector.shape_cast %reduce_sum3A_108 : vector<128xf32> to vector<1x128xf32>
      %add3A_110 = arith.addf %get3A_106, %broadcast_in_dim3A_109 : vector<1x128xf32>
      %swap3A_111 = arith.constant 0 : index
      %swap3A_112 = arith.constant 128 : index
      %swap3A_113 = vector.load %arg23[%swap3A_111, %swap3A_112] : memref<1x256xf32, #tpu.memory_space<vmem>>, vector<1x128xf32>
      tpu.vector_store %arg23[%swap3A_111, %swap3A_112], %add3A_110 {strides = array<i32>} : memref<1x256xf32, #tpu.memory_space<vmem>>, vector<1x128xf32>,
    } else {
    }
    %eq3A_66 = arith.constant 0 : i32
    %eq3A_67 = arith.cmpi eq, %arg0, %eq3A_66 : i32
    %convert_element_type3A_68 = arith.extui %eq3A_67 : i1 to i32
    %cond3A_69 = arith.constant 0 : i32
    %cond3A_70 = arith.cmpi ne, %convert_element_type3A_68, %cond3A_69 : i32
    scf.if %cond3A_70 {
      %get3A_71 = arith.constant 0 : index
      %get3A_72 = arith.constant 0 : index
      %get3A_73 = vector.load %arg23[%get3A_71, %get3A_72] : memref<1x256xf32, #tpu.memory_space<vmem>>, vector<1x256xf32>
      %swap3A_74 = arith.constant 0 : index
      %swap3A_75 = arith.constant 0 : index
      %swap3A_76 = vector.load %arg18[%swap3A_74, %swap3A_75] : memref<1x256xf32, #tpu.memory_space<vmem>>, vector<1x256xf32>
      tpu.vector_store %arg18[%swap3A_74, %swap3A_75], %get3A_73 {strides = array<i32>} : memref<1x256xf32, #tpu.memory_space<vmem>>, vector<1x256xf32>,
      %get3A_77 = arith.constant 0 : index
      %get3A_78 = arith.constant 0 : index
      %get3A_79 = vector.load %arg24[%get3A_77, %get3A_78] : memref<1x128xbf16, #tpu.memory_space<vmem>>, vector<1x128xbf16>
      %convert_element_type3A_80 = arith.extf %get3A_79 : vector<1x128xbf16> to vector<1x128xf32>
      %swap3A_81 = arith.constant 0 : index
      %swap3A_82 = arith.constant 0 : index
      %swap3A_83 = vector.load %arg19[%swap3A_81, %swap3A_82] : memref<1x128xf32, #tpu.memory_space<vmem>>, vector<1x128xf32>
      tpu.vector_store %arg19[%swap3A_81, %swap3A_82], %convert_element_type3A_80 {strides = array<i32>} : memref<1x128xf32, #tpu.memory_space<vmem>>, vector<1x128xf32>,
      %get3A_84 = arith.constant 0 : index
      %get3A_85 = arith.constant 0 : index
      %get3A_86 = vector.load %arg23[%get3A_84, %get3A_85] : memref<1x256xf32, #tpu.memory_space<vmem>>, vector<1x128xf32>
      %mul3A_87 = arith.constant 2.000000e-05 : f32
      %mul3A_88 = vector.broadcast %mul3A_87 : f32 to vector<1x128xf32>
      %mul3A_89 = arith.mulf %get3A_86, %mul3A_88 : vector<1x128xf32>
      %get3A_90 = arith.constant 0 : index
      %get3A_91 = arith.constant 128 : index
      %get3A_92 = vector.load %arg23[%get3A_90, %get3A_91] : memref<1x256xf32, #tpu.memory_space<vmem>>, vector<1x128xf32>
      %mul3A_93 = arith.constant 2.000040e-05 : f32
      %mul3A_94 = vector.broadcast %mul3A_93 : f32 to vector<1x128xf32>
      %mul3A_95 = arith.mulf %get3A_92, %mul3A_94 : vector<1x128xf32>
      %get3A_96 = arith.constant 0 : index
      %get3A_97 = arith.constant 0 : index
      %get3A_98 = vector.load %arg9[%get3A_96, %get3A_97] : memref<128x128xf32, #tpu.memory_space<vmem>>, vector<128x128xf32>
      %dot_general3A_99 = arith.constant dense<0.000000e+00> : vector<1x128xf32>
      %dot_general3A_100 = tpu.matmul %mul3A_89, %get3A_98, %dot_general3A_99 {dimension_numbers = #tpu.dot_dimension_numbers<[1], [0], [0], [1], [0, 0, 1, 1], [], []>, transpose_lhs_hint = false} : vector<1x128xf32>, vector<128x128xf32>, vector<1x128xf32> -> vector<1x128xf32>
      %get3A_101 = arith.constant 0 : index
      %get3A_102 = arith.constant 0 : index
      %get3A_103 = vector.load %arg14[%get3A_101, %get3A_102] : memref<1x128xf32, #tpu.memory_space<vmem>>, vector<1x128xf32>
      %add3A_104 = arith.addf %dot_general3A_100, %get3A_103 : vector<1x128xf32>
      %get3A_105 = arith.constant 0 : index
      %get3A_106 = arith.constant 0 : index
      %get3A_107 = vector.load %arg10[%get3A_105, %get3A_106] : memref<128x128xf32, #tpu.memory_space<vmem>>, vector<128x128xf32>
      %dot_general3A_108 = arith.constant dense<0.000000e+00> : vector<1x128xf32>
      %dot_general3A_109 = tpu.matmul %mul3A_95, %get3A_107, %dot_general3A_108 {dimension_numbers = #tpu.dot_dimension_numbers<[1], [0], [0], [1], [0, 0, 1, 1], [], []>, transpose_lhs_hint = false} : vector<1x128xf32>, vector<128x128xf32>, vector<1x128xf32> -> vector<1x128xf32>
      %get3A_110 = arith.constant 0 : index
      %get3A_111 = arith.constant 0 : index
      %get3A_112 = vector.load %arg15[%get3A_110, %get3A_111] : memref<1x128xf32, #tpu.memory_space<vmem>>, vector<1x128xf32>
      %add3A_113 = arith.addf %dot_general3A_109, %get3A_112 : vector<1x128xf32>
      %get3A_114 = arith.constant 0 : index
      %get3A_115 = arith.constant 0 : index
      %get3A_116 = vector.load %arg12[%get3A_114, %get3A_115] : memref<1x128xf32, #tpu.memory_space<vmem>>, vector<1x128xf32>
      %get3A_117 = arith.constant 0 : index
      %get3A_118 = arith.constant 0 : index
      %get3A_119 = vector.load %arg8[%get3A_117, %get3A_118] : memref<128x128xf32, #tpu.memory_space<vmem>>, vector<128x128xf32>
      %dot_general3A_120 = arith.constant dense<0.000000e+00> : vector<1x128xf32>
      %dot_general3A_121 = tpu.matmul %get3A_116, %get3A_119, %dot_general3A_120 {dimension_numbers = #tpu.dot_dimension_numbers<[1], [0], [0], [1], [0, 0, 1, 1], [], []>, transpose_lhs_hint = false} : vector<1x128xf32>, vector<128x128xf32>, vector<1x128xf32> -> vector<1x128xf32>
      %get3A_122 = arith.constant 0 : index
      %get3A_123 = arith.constant 0 : index
      %get3A_124 = vector.load %arg13[%get3A_122, %get3A_123] : memref<1x128xf32, #tpu.memory_space<vmem>>, vector<1x128xf32>
      %add3A_125 = arith.addf %dot_general3A_121, %get3A_124 : vector<1x128xf32>
      %max3A_126 = arith.constant 0.000000e+00 : f32
      %max3A_127 = vector.broadcast %max3A_126 : f32 to vector<1x128xf32>
      %max3A_128 = arith.maximumf %add3A_125, %max3A_127 : vector<1x128xf32>
      %get3A_129 = arith.constant 0 : index
      %get3A_130 = arith.constant 0 : index
      %get3A_131 = vector.load %arg11[%get3A_129, %get3A_130] : memref<128x128xf32, #tpu.memory_space<vmem>>, vector<128x128xf32>
      %dot_general3A_132 = arith.constant dense<0.000000e+00> : vector<1x128xf32>
      %dot_general3A_133 = tpu.matmul %max3A_128, %get3A_131, %dot_general3A_132 {dimension_numbers = #tpu.dot_dimension_numbers<[1], [0], [0], [1], [0, 0, 1, 1], [], []>, transpose_lhs_hint = false} : vector<1x128xf32>, vector<128x128xf32>, vector<1x128xf32> -> vector<1x128xf32>
      %get3A_134 = arith.constant 0 : index
      %get3A_135 = arith.constant 0 : index
      %get3A_136 = vector.load %arg16[%get3A_134, %get3A_135] : memref<1x128xf32, #tpu.memory_space<vmem>>, vector<1x128xf32>
      %add3A_137 = arith.addf %dot_general3A_133, %get3A_136 : vector<1x128xf32>
      %get3A_138 = arith.constant 0 : index
      %get3A_139 = arith.constant 0 : index
      %get3A_140 = vector.load %arg17[%get3A_138, %get3A_139] : memref<1x128xf32, #tpu.memory_space<vmem>>, vector<1x128xf32>
      %reduce_max3A = vector.shape_cast %get3A_140 : vector<1x128xf32> to vector<1x1x128xf32>
      %reduce_max3A_141 = arith.constant dense<0xFF800000> : vector<1xf32>
      %reduce_max3A_142 = vector.multi_reduction <maximumf>, %reduce_max3A, %reduce_max3A_141 [1, 2] : vector<1x1x128xf32> to vector<1xf32>
      %reduce_max3A_143 = vector.shape_cast %reduce_max3A_142 : vector<1xf32> to vector<1x1x1xf32>
      %reduce_max3A_144 = vector.extract %reduce_max3A_143[0, 0, 0] : f32 from vector<1x1x1xf32>
      %sub3A_145 = vector.broadcast %reduce_max3A_144 : f32 to vector<1x128xf32>
      %sub3A_146 = arith.subf %get3A_140, %sub3A_145 : vector<1x128xf32>
      %exp3A_147 = math.exp %sub3A_146 : vector<1x128xf32>
      %reduce_sum3A = vector.shape_cast %exp3A_147 : vector<1x128xf32> to vector<1x1x128xf32>
      %reduce_sum3A_148 = arith.constant dense<0.000000e+00> : vector<1xf32>
      %reduce_sum3A_149 = vector.multi_reduction <add>, %reduce_sum3A, %reduce_sum3A_148 [1, 2] : vector<1x1x128xf32> to vector<1xf32>
      %reduce_sum3A_150 = vector.shape_cast %reduce_sum3A_149 : vector<1xf32> to vector<1x1x1xf32>
      %reduce_sum3A_151 = vector.extract %reduce_sum3A_150[0, 0, 0] : f32 from vector<1x1x1xf32>
      %div3A_152 = vector.broadcast %reduce_sum3A_151 : f32 to vector<1x128xf32>
      %div3A_153 = arith.divf %exp3A_147, %div3A_152 : vector<1x128xf32>
      %slice3A_154 = vector.extract_strided_slice %div3A_153 {offsets = [0, 0], sizes = [1, 1], strides = [1, 1]} : vector<1x128xf32> to vector<1x1xf32>
      %mul3A_155 = vector.broadcast %slice3A_154 : vector<1x1xf32> to vector<1x128xf32>
      %mul3A_156 = arith.mulf %mul3A_155, %add3A_104 : vector<1x128xf32>
      %slice3A_157 = vector.extract_strided_slice %div3A_153 {offsets = [0, 1], sizes = [1, 1], strides = [1, 1]} : vector<1x128xf32> to vector<1x1xf32>
      %mul3A_158 = vector.broadcast %slice3A_157 : vector<1x1xf32> to vector<1x128xf32>
      %mul3A_159 = arith.mulf %mul3A_158, %add3A_113 : vector<1x128xf32>
      %add3A_160 = arith.addf %mul3A_156, %mul3A_159 : vector<1x128xf32>
      %slice3A_161 = vector.extract_strided_slice %div3A_153 {offsets = [0, 2], sizes = [1, 1], strides = [1, 1]} : vector<1x128xf32> to vector<1x1xf32>
      %mul3A_162 = vector.broadcast %slice3A_161 : vector<1x1xf32> to vector<1x128xf32>
      %mul3A_163 = arith.mulf %mul3A_162, %add3A_137 : vector<1x128xf32>
      %add3A_164 = arith.addf %add3A_160, %mul3A_163 : vector<1x128xf32>
      %swap3A_165 = arith.constant 0 : index
      %swap3A_166 = arith.constant 0 : index
      %swap3A_167 = vector.load %arg20[%swap3A_165, %swap3A_166] : memref<1x128xf32, #tpu.memory_space<vmem>>, vector<1x128xf32>
      tpu.vector_store %arg20[%swap3A_165, %swap3A_166], %add3A_164 {strides = array<i32>} : memref<1x128xf32, #tpu.memory_space<vmem>>, vector<1x128xf32>,
      %swap3A_168 = arith.constant 0 : index
      %swap3A_169 = arith.constant 0 : index
      %swap3A_170 = vector.load %arg21[%swap3A_168, %swap3A_169] : memref<3x128xf32, #tpu.memory_space<vmem>>, vector<1x128xf32>
      tpu.vector_store %arg21[%swap3A_168, %swap3A_169], %add3A_104 {strides = array<i32>} : memref<3x128xf32, #tpu.memory_space<vmem>>, vector<1x128xf32>,
      %swap3A_171 = arith.constant 1 : index
      %swap3A_172 = arith.constant 0 : index
      %swap3A_173 = vector.load %arg21[%swap3A_171, %swap3A_172] : memref<3x128xf32, #tpu.memory_space<vmem>>, vector<1x128xf32>
      tpu.vector_store %arg21[%swap3A_171, %swap3A_172], %add3A_113 {strides = array<i32>} : memref<3x128xf32, #tpu.memory_space<vmem>>, vector<1x128xf32>,
      %swap3A_174 = arith.constant 2 : index
      %swap3A_175 = arith.constant 0 : index
      %swap3A_176 = vector.load %arg21[%swap3A_174, %swap3A_175] : memref<3x128xf32, #tpu.memory_space<vmem>>, vector<1x128xf32>
      tpu.vector_store %arg21[%swap3A_174, %swap3A_175], %add3A_137 {strides = array<i32>} : memref<3x128xf32, #tpu.memory_space<vmem>>, vector<1x128xf32>,
      %swap3A_177 = arith.constant 0 : index
      %swap3A_178 = arith.constant 0 : index
      %swap3A_179 = vector.load %arg22[%swap3A_177, %swap3A_178] : memref<1x128xf32, #tpu.memory_space<vmem>>, vector<1x128xf32>
      tpu.vector_store %arg22[%swap3A_177, %swap3A_178], %div3A_153 {strides = array<i32>} : memref<1x128xf32, #tpu.memory_space<vmem>>, vector<1x128xf32>,
    } else {
    }
    return
  }
  func.func @transform_0(%arg0: i32) -> (i32, i32) {
    %c0_i32 = arith.constant 0 : i32
    %c0_i32_0 = arith.constant 0 : i32
    return %arg0, %c0_i32 : i32, i32
  }
  func.func @transform_1(%arg0: i32) -> (i32, i32) {
    %c0_i32 = arith.constant 0 : i32
    %c0_i32_0 = arith.constant 0 : i32
    %c0_i32_1 = arith.constant 0 : i32
    return %c0_i32, %c0_i32_0 : i32, i32
  }
  func.func @transform_2(%arg0: i32) -> (i32, i32) {
    %c0_i32 = arith.constant 0 : i32
    %c0_i32_0 = arith.constant 0 : i32
    %c0_i32_1 = arith.constant 0 : i32
    return %c0_i32, %c0_i32_0 : i32, i32
  }
  func.func @transform_3(%arg0: i32) -> (i32, i32) {
    %c0_i32 = arith.constant 0 : i32
    %c0_i32_0 = arith.constant 0 : i32
    %c0_i32_1 = arith.constant 0 : i32
    return %c0_i32, %c0_i32_0 : i32, i32
  }
  func.func @transform_4(%arg0: i32) -> (i32, i32) {
    %c0_i32 = arith.constant 0 : i32
    %c0_i32_0 = arith.constant 0 : i32
    %c0_i32_1 = arith.constant 0 : i32
    return %c0_i32, %c0_i32_0 : i32, i32
  }
  func.func @transform_5(%arg0: i32) -> (i32, i32) {
    %c0_i32 = arith.constant 0 : i32
    %c0_i32_0 = arith.constant 0 : i32
    %c0_i32_1 = arith.constant 0 : i32
    return %c0_i32, %c0_i32_0 : i32, i32
  }
  func.func @transform_6(%arg0: i32) -> (i32, i32) {
    %c0_i32 = arith.constant 0 : i32
    %c0_i32_0 = arith.constant 0 : i32
    %c0_i32_1 = arith.constant 0 : i32
    return %c0_i32, %c0_i32_0 : i32, i32
  }
  func.func @transform_7(%arg0: i32) -> (i32, i32) {
    %c0_i32 = arith.constant 0 : i32
    %c0_i32_0 = arith.constant 0 : i32
    %c0_i32_1 = arith.constant 0 : i32
    return %c0_i32, %c0_i32_0 : i32, i32
  }
  func.func @transform_8(%arg0: i32) -> (i32, i32) {
    %c0_i32 = arith.constant 0 : i32
    %c0_i32_0 = arith.constant 0 : i32
    %c0_i32_1 = arith.constant 0 : i32
    return %c0_i32, %c0_i32_0 : i32, i32
  }
  func.func @transform_9(%arg0: i32) -> (i32, i32) {
    %c0_i32 = arith.constant 0 : i32
    %c0_i32_0 = arith.constant 0 : i32
    %c0_i32_1 = arith.constant 0 : i32
    return %c0_i32, %c0_i32_0 : i32, i32
  }
  func.func @transform_10(%arg0: i32) -> (i32, i32) {
    %c0_i32 = arith.constant 0 : i32
    %c0_i32_0 = arith.constant 0 : i32
    %c0_i32_1 = arith.constant 0 : i32
    return %c0_i32, %c0_i32_0 : i32, i32
  }
  func.func @transform_11(%arg0: i32) -> (i32, i32) {
    %c0_i32 = arith.constant 0 : i32
    %c0_i32_0 = arith.constant 0 : i32
    %c0_i32_1 = arith.constant 0 : i32
    return %c0_i32, %c0_i32_0 : i32, i32
  }
  func.func @transform_12(%arg0: i32) -> (i32, i32) {
    %c0_i32 = arith.constant 0 : i32
    %c0_i32_0 = arith.constant 0 : i32
    %c0_i32_1 = arith.constant 0 : i32
    return %c0_i32, %c0_i32_0 : i32, i32
  }
  func.func @transform_13(%arg0: i32) -> (i32, i32) {
    %c0_i32 = arith.constant 0 : i32
    %c0_i32_0 = arith.constant 0 : i32
    %c0_i32_1 = arith.constant 0 : i32
    return %c0_i32, %c0_i32_0 : i32, i32
  }
  func.func @transform_14(%arg0: i32) -> (i32, i32) {
    %c0_i32 = arith.constant 0 : i32
    %c0_i32_0 = arith.constant 0 : i32
    %c0_i32_1 = arith.constant 0 : i32
    return %c0_i32, %c0_i32_0 : i32, i32
  }
  func.func @transform_15(%arg0: i32) -> (i32, i32) {
    %c0_i32 = arith.constant 0 : i32
    %c0_i32_0 = arith.constant 0 : i32
    %c0_i32_1 = arith.constant 0 : i32
    return %c0_i32, %c0_i32_0 : i32, i32
  }
  func.func @transform_16(%arg0: i32) -> (i32, i32) {
    %c0_i32 = arith.constant 0 : i32
    %c0_i32_0 = arith.constant 0 : i32
    %c0_i32_1 = arith.constant 0 : i32
    return %c0_i32, %c0_i32_0 : i32, i32
  }
  func.func @transform_17(%arg0: i32) -> (i32, i32) {
    %c0_i32 = arith.constant 0 : i32
    %c0_i32_0 = arith.constant 0 : i32
    %c0_i32_1 = arith.constant 0 : i32
    return %c0_i32, %c0_i32_0 : i32, i32
  }
  func.func @transform_18(%arg0: i32) -> (i32, i32) {
    %c0_i32 = arith.constant 0 : i32
    %c0_i32_0 = arith.constant 0 : i32
    %c0_i32_1 = arith.constant 0 : i32
    return %c0_i32, %c0_i32_0 : i32, i32
  }
  func.func @transform_19(%arg0: i32) -> (i32, i32) {
    %c0_i32 = arith.constant 0 : i32
    %c0_i32_0 = arith.constant 0 : i32
    %c0_i32_1 = arith.constant 0 : i32
    return %c0_i32, %c0_i32_0 : i32, i32
  }
  func.func @transform_20(%arg0: i32) -> (i32, i32) {
    %c0_i32 = arith.constant 0 : i32
    %c0_i32_0 = arith.constant 0 : i32
    %c0_i32_1 = arith.constant 0 : i32
    return %c0_i32, %c0_i32_0 : i32, i32
  }
  func.func @transform_21(%arg0: i32) -> (i32, i32) {
    %c0_i32 = arith.constant 0 : i32
    %c0_i32_0 = arith.constant 0 : i32
    %c0_i32_1 = arith.constant 0 : i32
    return %c0_i32, %c0_i32_0 : i32, i32
  }
}

</mosaic_0001>

<sc_bundles>
// kernel: kernel.10.cloned.1.call-start
scs
__scs_entry_jumppad:
0x0: {  	(pc) =	sbr.rel $0x88, $3  }
0x1: {  	(tag) =	ssettag $0x0;
	lr =	simm.s32 $0x1  }
0x2: {  	[smem:$0x3F88] =	sst lr;
	_ =	strace $0xD0000000  }
0x3: {  	_ = 	snop  }
0x4: {  	_ = 	snop  }
0x5: {  	_ = 	snop  }
0x6: {  	_ = 	snop  }
0x7: {  	_ = 	snop  }
__scs_overlays_trampoline_lowered:
0x8: {  	[smem:$0x3F97] =	sst s0  }
0x9: {  	[smem:$0x3F98] =	sst s1  }
0xa: {  	[smem:$0x3F99] =	sst s2  }
0xb: {  	[smem:$0x3F9A] =	sst s3  }
0xc: {  	[smem:$0x3F9B] =	sst s4  }
0xd: {  	[smem:$0x3F9C] =	sst s5  }
0xe: {  	[smem:$0x3F9D] =	sst s6  }
0xf: {  	[smem:$0x3F9E] =	sst s7  }
0x10: {  	[smem:$0x3F9F] =	sst s8  }
0x11: {  	[smem:$0x3FA0] =	sst s9;
	s0 =	simm.s32 @!p0 $0x0  }
0x12: {  	s1 =	sld [smem:$0x3F86];
	s0 =	simm.s32 @p0 $0x1  }
0x13: {  	[smem:$0x3FA1] =	sst s0;
	s0 =	simm.s32 @!p1 $0x0  }
0x14: {  	s2 =	sld [smem:$0x3F85];
	s0 =	simm.s32 @p1 $0x1  }
0x15: {  	[smem:$0x3FA2] =	sst s0;
	s0 =	simm.s32 @!p2 $0x0  }
0x16: {  	s3 =	sld [smem:$0x3FDB];
	s0 =	simm.s32 @p2 $0x1  }
0x17: {  	s4 =	simm.s32 $0x1BF5;
	[smem:$0x3FA4] =	sst s0  }
0x18: {  	s0 =	sld [smem:$0x3F87];
	_ =	swait.ge [sflag:s4], $0x0  }
0x19: {  	s7 =	sld [smem:$0x3F88]  }
0x1a: {  	s8 =	sadd.s32 $0xFFFFE003, lr  }
0x1b: {  	s9 =	sadd.s32 $0xFFFFFEF7, lr;
	s5 =	simm.s32 $0xFFFFFFFF;
	p2 =	slt.u32 s8, $0xFFFFF086  }
0x1c: {  	p1 =	slt.u32 s9, $0xF7A;
	s5 =	simm.s32 @!p2 $0x0  }
0x1d: {  	s5 =	simm.s32 @p1 $0x1;
	p0 =	seq.s32 s7, s2  }
0x1e: {  	s7 =	smul.u32 @!p0 $0xF7A, s2;
	p2 =	seq.s32 @!p0 s5, $0x0  }
0x1f: {  	s9 =	smul.u32 $0xF7A, s1;
	s8 =	simm.s32 @!p0 $0x1BF5;
	p2 =	por !p2, p0  }
0x20: {  	[sflag:s8] =	ssyncset.s32 @!p0 $0xFFFFF086;
	s6 =	sadd.s32 @!p0 s3, s7;
	s7 =	simm.s32 @!p0 $0x108  }
0x21: {  	s3 =	sadd.s32 s3, s9;
	s6 =	sadd.s32 @!p0 $0x88, s6;
	s7 =	simm.s32 @p2 $0x1082  }
0x22: {  	[simem:s7], [sflag:s8] =	dma.local @!p0 [hbm:s6], $0xF7A  }
0x23: {  	s9 =	sor.u32 $0xD0000000, s2;
	s6 =	simm.s32 $0x108;
	_ =	swait.ge @!p0 [sflag:s8], $0x0  }
0x24: {  	s3 =	sadd.s32 $0x88, s3;
	s6 =	simm.s32 @!p1 $0x1082;
	[sflag:s4] =	ssyncset.s32 $0xFFFFF086  }
0x25: {  	[simem:s6], [sflag:s4] =	dma.local [hbm:s3], $0xF7A  }
0x26: {  	[smem:$0x3F88] =	sst s1;
	(tag) =	ssettag s2;
	_ =	strace s9  }
0x27: {  	s1 =	sld [smem:$0x3F98]  }
0x28: {  	s2 =	sld [smem:$0x3F99]  }
0x29: {  	s4 =	sld [smem:$0x3F9B]  }
0x2a: {  	p0 =	seq.s32 s5, $0x0;
	s5 =	sld [smem:$0x3F9C]  }
0x2b: {  	s6 =	sld [smem:$0x3F9D]  }
0x2c: {  	s7 =	sld [smem:$0x3F9E]  }
0x2d: {  	s3 =	simm.s32 $0x108;
	s8 =	sld [smem:$0x3F9F]  }
0x2e: {  	s3 =	simm.s32 @!p0 $0x1082;
	s9 =	sld [smem:$0x3FA0]  }
0x2f: {  	lr =	sadd.s32 s0, s3;
	s0 =	sld [smem:$0x3F97]  }
0x30: {  	s3 =	sld [smem:$0x3F9A]  }
0x31: {  	[smem:$0x3FA3] =	sst s10  }
0x32: {  	s10 =	sld [smem:$0x3FA1];
	_ =	sdelay $0x3  }
0x33: {  	p0 =	seq.s32 s10, $0x1;
	s10 =	sld [smem:$0x3FA3];
	_ =	sdelay $0x3  }
0x34: {  	[smem:$0x3FA3] =	sst s10  }
0x35: {  	s10 =	sld [smem:$0x3FA2];
	_ =	sdelay $0x3  }
0x36: {  	p1 =	seq.s32 s10, $0x1;
	s10 =	sld [smem:$0x3FA3];
	_ =	sdelay $0x3  }
0x37: {  	[smem:$0x3FA3] =	sst s10  }
0x38: {  	s10 =	sld [smem:$0x3FA4]  }
0x39: {  	_ = 	snop;
	(pc) =	sbr.ind lr, $3  }
0x3a: {  	_ = 	snop  }
0x3b: {  	_ = 	snop  }
0x3c: {  	p2 =	seq.s32 s10, $0x1;
	s10 =	sld [smem:$0x3FA3]  }
0x3d: {  	_ =	shalt  }
0x3e: {  	_ =	shalt  }
0x3f: {  	_ =	shalt  }
0x40: {  	_ =	shalt  }
0x41: {  	_ =	shalt  }
0x42: {  	_ =	shalt  }
0x43: {  	_ =	shalt  }
0x44: {  	_ =	shalt  }
0x45: {  	_ =	shalt  }
0x46: {  	_ =	shalt  }
0x47: {  	_ =	shalt  }
0x48: {  	_ =	shalt  }
0x49: {  	_ =	shalt  }
0x4a: {  	_ =	shalt  }
0x4b: {  	_ =	shalt  }
0x4c: {  	_ =	shalt  }
0x4d: {  	_ =	shalt  }
0x4e: {  	_ =	shalt  }
0x4f: {  	_ =	shalt  }
0x50: {  	_ =	shalt  }
0x51: {  	_ =	shalt  }
0x52: {  	_ =	shalt  }
0x53: {  	_ =	shalt  }
0x54: {  	_ =	shalt  }
0x55: {  	_ =	shalt  }
0x56: {  	_ =	shalt  }
0x57: {  	_ =	shalt  }
0x58: {  	_ =	shalt  }
0x59: {  	_ =	shalt  }
0x5a: {  	_ =	shalt  }
0x5b: {  	_ =	shalt  }
0x5c: {  	_ =	shalt  }
0x5d: {  	_ =	shalt  }
0x5e: {  	_ =	shalt  }
0x5f: {  	_ =	shalt  }
0x60: {  	_ =	shalt  }
0x61: {  	_ =	shalt  }
0x62: {  	_ =	shalt  }
0x63: {  	_ =	shalt  }
0x64: {  	_ =	shalt  }
0x65: {  	_ =	shalt  }
0x66: {  	_ =	shalt  }
0x67: {  	_ =	shalt  }
0x68: {  	_ =	shalt  }
0x69: {  	_ =	shalt  }
0x6a: {  	_ =	shalt  }
0x6b: {  	_ =	shalt  }
0x6c: {  	_ =	shalt  }
0x6d: {  	_ =	shalt  }
0x6e: {  	_ =	shalt  }
0x6f: {  	_ =	shalt  }
0x70: {  	_ =	shalt  }
0x71: {  	_ =	shalt  }
0x72: {  	_ =	shalt  }
0x73: {  	_ =	shalt  }
0x74: {  	_ =	shalt  }
0x75: {  	_ =	shalt  }
0x76: {  	_ =	shalt  }
0x77: {  	_ =	shalt  }
0x78: {  	_ =	shalt  }
0x79: {  	_ =	shalt  }
0x7a: {  	_ =	shalt  }
0x7b: {  	_ =	shalt  }
0x7c: {  	_ =	shalt  }
0x7d: {  	_ =	shalt  }
0x7e: {  	_ =	shalt  }
0x7f: {  	_ =	shalt  }
0x80: {  	_ =	shalt  }
0x81: {  	_ =	shalt  }
0x82: {  	_ =	shalt  }
0x83: {  	_ =	shalt  }
0x84: {  	_ =	shalt  }
0x85: {  	_ =	shalt  }
0x86: {  	_ =	shalt  }
0x87: {  	_ =	shalt  }
.Lfunc_end0:
.L_simem_size_0:
called_computation_lowered:
.L_overlay_start_0:
0x88: {  	s2 =	sld [smem:$0x3FD9]  }
0x89: {  	s3 =	sld [smem:$0x3FFE];
	_ =	sdelay $0x1  }
0x8a: {  	s1 =	srdreg.scid  }
0x8b: {  	s0 =	sand.u32 $0x1, s1  }
0x8c: {  	s17 =	sshll.u32 s0, $0xA;
	s2 =	sadd.s32 s3, s2  }
0x8d: {  	s2 =	sadd.s32 s2, s17  }
0x8e: {  	[smem:$0x3FAF] =	sst s2  }
0x8f: {  	_ = 	snop  }
0x90: {  	s2 =	sld [smem:$0x3FC9]  }
0x91: {  	s18 =	sld [smem:$0x3FBE];
	(tm) =	ssettm $0x1  }
0x92: {  	s4 =	sld [smem:$0x3FFB];
	_ =	sdelay $0x3  }
0x93: {  	_ =	strace s4  }
0x94: {  	s4 =	sld [smem:$0x3FFC];
	_ =	sdelay $0x3  }
0x95: {  	_ =	strace s4  }
0x96: {  	s4 =	sld [smem:$0x3FFD];
	_ =	sdelay $0x3  }
0x97: {  	_ =	strace s4  }
0x98: {  	_ =	strace $0x8FFFFFFF  }
0x99: {  	s19 =	sld [smem:$0x3FDB];
	_ =	sdelay $0x1  }
0x9a: {  	s5 =	simm.s32 $_scs_section_size  }
0x9b: {  	s6 =	simm.s32 $_size__tile_overlayer_lowered;
	s7 =	simm.s32 $_tile_overlayer_lowered  }
0x9c: {  	s22 =	simm.s32 $0x1BFF;
	s21 =	sshll.u32 s7, $0x1;
	s4 =	sadd.s32 s5, s19  }
0x9d: {  	s8 =	simm.s32 $0x0;
	s20 =	sshll.u32 s6, $0x1;
	s6 =	sadd.s32 s21, s4  }
0x9e: {  	[timem:s8], [sflag:s22] =	dma.local [hbm:s6], s20  }
0x9f: {  	_ =	swait.ge [sflag:s22], s20  }
0xa0: {  	s5 =	ssub.s32 $0x0, s20;
	[sflag:s22] =	ssyncset.done $0x0  }
0xa1: {  	[sflag:s22] =	ssyncadd.s32 s5;
	_ =	sdelay $0x1  }
0xa2: {  	s23 =	simm.s32 $0x1B8B  }
0xa3: {  	_ =	swait.ge [sflag:s23], $0x1  }
0xa4: {  	[sflag:s23] =	ssyncset.done $0x0  }
0xa5: {  	s25 =	simm.s32 $0x1B8E;
	s24 =	sld [smem:$0x3FFE];
	[sflag:s23] =	ssyncadd.s32 $0xFFFFFFFF  }
0xa6: {  	s26 =	simm.s32 $execute0_lowered;
	[smem:$0x3FD2] =	sst s25  }
0xa7: {  	s6 =	sshll.u32 s26, $0x1;
	_ =	strace $0x80000046;
	[dreg:$0x1] =	wrdreg $0xFFFFFFFF  }
0xa8: {  	s28 =	simm.s32 $_size_execute0_lowered;
	s4 =	sadd.s32 s4, s6;
	[dreg:$0x0] =	wrdreg $0x0  }
0xa9: {  	s6 =	sshll.u32 s28, $0x1;
	[dreg:$0x2] =	wrdreg s4  }
0xaa: {  	[dreg:$0x3] =	wrdreg s6  }
0xab: {  	[dreg:$0x4] =	wrdreg $0xC0  }
0xac: {  	_ =	task [dreg:s8], $0x5FFFF  }
0xad: {  	[dreg:$0x1] =	wrdreg $0xFFFFFFFF  }
0xae: {  	[dreg:$0x0] =	wrdreg $0x60  }
0xaf: {  	[dreg:$0x2] =	wrdreg s18  }
0xb0: {  	[dreg:$0x3] =	wrdreg s2  }
0xb1: {  	[dreg:$0x4] =	wrdreg s24  }
0xb2: {  	[dreg:$0x5] =	wrdreg $0x9  }
0xb3: {  	_ =	task.clear_ibuf [dreg:s8], $0x6FFFF;
	_ =	strace $0x90000046  }
0xb4: {  	s29 =	simm.s32 $0x9;
	_ =	strace $0x80000048  }
0xb5: {  	_ =	swait.ge [sflag:s29], $0x1  }
0xb6: {  	[sflag:s29] =	ssyncadd.s32 $0xFFFFFFFF  }
0xb7: {  	_ =	strace $0x90000048  }
0xb8: {  	_ =	sfence  }
0xb9: {  	s30 =	sld [smem:$0x0];
	_ =	sdelay $0x2  }
0xba: {  	s31 =	sshll.u32 s1, $0xD;
	s1 =	sshrl.u32 s1, $0x2  }
0xbb: {  	s3 =	sand.u32 $0x4000, s31;
	s1 =	sadd.s32 s1, s30  }
0xbc: {  	s0 =	sor.u32 s3, s0;
	s1 =	sshll.u32 s1, $0x11  }
0xbd: {  	s0 =	sor.u32 s1, s0  }
0xbe: {  	s0 =	sadd.s32 $0x8F2B, s0  }
0xbf: {  	[sflag:s0] =	ssyncadd.remote.s32 $0x1  }
0xc0: {  	_ =	sfence.sel $0xFFFF  }
0xc1: {  	[dreg:$0x0] =	wrdreg $0xFFFFFFFF;
	(pc) =	sbr.abs _section_cstart, $3  }
0xc2: {  	[dreg:$0x1] =	wrdreg $0xFFFFFFFF  }
0xc3: {  	_ =	task.clear_ibuf [dreg:s8], $0x2FFFF;
	_ =	strace $0x9FFFFFFF  }
0xc4: {  	(tm) =	ssettm $0x7FFFFFFF  }
0xc5: {  	_ =	shalt  }
tec
execute0_lowered:
.L_overlay_start_1:
0x0: {  	(tag) =	ssettag $0x1  }
0x1: {  	s1 =	rddreg [dreg:$0x0]  }
0x2: {  	s2 =	srdreg.scid;
	s0 =	stileid.u32  }
0x3: {  	s4 =	rddreg [dreg:$0x1];
	s16 =	sand.u32 $0x1, s2;
	s29 =	sshll.u32 s0, $0x1  }
0x4: {  	s14 =	rddreg [dreg:$0x2];
	s17 =	sor.u32 s16, s29  }
0x5: {  	s3 =	simm.s32 $0x0;
	s2 =	rddreg [dreg:$0x3];
	s5 =	smul.u32 $0x38, s17  }
0x6: {  	[smem:$0x7FF] =	sst s3  }
0x7: {  	_ =	strace $0x80000047;
	s4 =	sadd.s32 s4, s5;
	s5 =	simm.s32 $0x5  }
0x8: {  	[tilespmem:s3], [sflag:$0x5] =	stream.linear.gather [hbm4b:s4+s3], $0x1C0, $0x38;
	[tilespmem:$0xE200] =	vst v63  }
0x9: {  	_ =	swait.ge [sflag:s5], $0x1C0  }
0xa: {  	[sflag:s5] =	ssyncset.done $0x0  }
0xb: {  	s6 =	simm.s32 $0x70;
	s7 =	simm.s32 $0x200;
	[sflag:s5] =	ssyncadd.s32 $0xFFFFFE40  }
0xc: {  	[tilespmem:s7], [sflag:$0x1] =	stream.indirect.gather [hbm4b:s1+s6], $0x80, s3, s6, $0xb8;
	[tilespmem:$0xE200] =	vst v63  }
0xd: {  	s8 =	simm.s32 $0x3A00  }
0xe: {  	[tilespmem:s8], [sflag:$0x1] =	stream.indirect.gather [hbm4b:s1+s6], $0x80, s6, s6, $0xb8;
	[tilespmem:$0xE200] =	vst v63  }
0xf: {  	s9 =	simm.s32 $0xE0;
	s10 =	simm.s32 $0x7200  }
0x10: {  	[tilespmem:s10], [sflag:$0x2] =	stream.indirect.gather [hbm4b:s1+s6], $0x80, s9, s6, $0xb8;
	[tilespmem:$0xE200] =	vst v63  }
0x11: {  	s11 =	simm.s32 $0x150;
	s12 =	simm.s32 $0xAA00;
	s13 =	simm.s32 $0x1  }
0x12: {  	[tilespmem:s12], [sflag:$0x2] =	stream.indirect.gather [hbm4b:s1+s6], $0x80, s11, s6, $0xb8;
	[tilespmem:$0xE200] =	vst v63  }
0x13: {  	_ =	swait.ge [sflag:s13], $0x3800  }
0x14: {  	[sflag:s13] =	ssyncset.done $0x0  }
0x15: {  	[sflag:s13] =	ssyncadd.s32 $0xFFFFC800  }
0x16: {  	s15 =	smul.u32 $0x1C00, s17;
	_ =	swait.ge [sflag:s13], $0x3800  }
0x17: {  	s18 =	sadd.s32 $0x5200, s14;
	[sflag:s13] =	ssyncset.done $0x0  }
0x18: {  	s14 =	sadd.s32 s18, s15;
	s15 =	simm.s32 $0x2;
	[sflag:s13] =	ssyncadd.s32 $0xFFFFC800  }
0x19: {  	[hbm4b:s14+s3] =	stream.linear.scatter [tilespmem:s7], [sflag:$0x3], $0x7000, $0x38;
	[tilespmem:$0xE200] =	vst v63  }
0x1a: {  	s17 =	smul.u32 $0xE000, s17;
	_ =	swait.ge [sflag:s15], $0x3800  }
0x1b: {  	s19 =	ssub.s32 $0x2, s16;
	[sflag:s15] =	ssyncset.done $0x0  }
0x1c: {  	s31 =	sshrl.u32 s19, $0x1;
	s17 =	sshrl.u32 s17, $0x3;
	[sflag:s15] =	ssyncadd.s32 $0xFFFFC800  }
0x1d: {  	s30 =	sadd.s32 s18, s17;
	s18 =	ssub.s32 s19, s31;
	_ =	swait.ge [sflag:s15], $0x3800  }
0x1e: {  	s17 =	simm.s32 $0x3;
	s19 =	smax.u32 s18, $0x1;
	[sflag:s15] =	ssyncset.done $0x0  }
0x1f: {  	s16 =	sadd.s32 $0xE00, s30;
	p0 =	sne.s32 s19, $0x1;
	[sflag:s15] =	ssyncadd.s32 $0xFFFFC800  }
0x20: {  	[hbm4b:s16+s3] =	stream.linear.scatter [tilespmem:s10], [sflag:$0x4], $0x7000, $0x38;
	[tilespmem:$0xE200] =	vst v63  }
.Ltmp0:
0x21: {  	_ =	swait.ge [sflag:s17], $0x7000;
	(pc) =	sbr.rel @!p0 .LBB2_2-.Ltmp0, $4  }
0x22: {  	[sflag:s17] =	ssyncset.done $0x0  }
0x23: {  	s18 =	simm.s32 $0x4;
	[sflag:s17] =	ssyncadd.s32 $0xFFFF9000  }
0x24: {  	_ =	swait.ge [sflag:s18], $0x7000  }
0x25: {  	s19 =	sadd.s32 $0xFFFFFFFF, s19;
	[sflag:s18] =	ssyncset.done $0x0  }
.LBB2_1:
0x26: {  	p0 =	sne.s32 s19, $0x1;
	s19 =	sadd.s32 $0xFFFFFFFF, s19;
	[sflag:s18] =	ssyncadd.s32 $0xFFFF9000  }
0x27: {  	[tilespmem:s3], [sflag:$0x5] =	stream.linear.gather [hbm4b:s4+s3], $0x1C0, $0x38;
	[tilespmem:$0xE200] =	vst v63  }
0x28: {  	_ =	swait.ge [sflag:s5], $0x1C0  }
0x29: {  	[sflag:s5] =	ssyncset.done $0x0  }
0x2a: {  	[sflag:s5] =	ssyncadd.s32 $0xFFFFFE40  }
0x2b: {  	[tilespmem:s7], [sflag:$0x1] =	stream.indirect.gather [hbm4b:s1+s6], $0x80, s3, s6, $0xb8;
	[tilespmem:$0xE200] =	vst v63  }
0x2c: {  	_ = 	snop  }
0x2d: {  	[tilespmem:s8], [sflag:$0x1] =	stream.indirect.gather [hbm4b:s1+s6], $0x80, s6, s6, $0xb8;
	[tilespmem:$0xE200] =	vst v63  }
0x2e: {  	_ = 	snop  }
0x2f: {  	[tilespmem:s10], [sflag:$0x2] =	stream.indirect.gather [hbm4b:s1+s6], $0x80, s9, s6, $0xb8;
	[tilespmem:$0xE200] =	vst v63  }
0x30: {  	_ = 	snop  }
0x31: {  	[tilespmem:s12], [sflag:$0x2] =	stream.indirect.gather [hbm4b:s1+s6], $0x80, s11, s6, $0xb8;
	[tilespmem:$0xE200] =	vst v63  }
0x32: {  	_ =	swait.ge [sflag:s13], $0x3800  }
0x33: {  	[sflag:s13] =	ssyncset.done $0x0  }
0x34: {  	[sflag:s13] =	ssyncadd.s32 $0xFFFFC800  }
0x35: {  	_ =	swait.ge [sflag:s13], $0x3800  }
0x36: {  	[sflag:s13] =	ssyncset.done $0x0  }
0x37: {  	[sflag:s13] =	ssyncadd.s32 $0xFFFFC800  }
0x38: {  	[hbm4b:s14+s3] =	stream.linear.scatter [tilespmem:s7], [sflag:$0x3], $0x7000, $0x38;
	[tilespmem:$0xE200] =	vst v63  }
0x39: {  	_ =	swait.ge [sflag:s15], $0x3800  }
0x3a: {  	[sflag:s15] =	ssyncset.done $0x0  }
0x3b: {  	[sflag:s15] =	ssyncadd.s32 $0xFFFFC800  }
0x3c: {  	_ =	swait.ge [sflag:s15], $0x3800  }
0x3d: {  	[sflag:s15] =	ssyncset.done $0x0  }
0x3e: {  	[sflag:s15] =	ssyncadd.s32 $0xFFFFC800  }
0x3f: {  	[hbm4b:s16+s3] =	stream.linear.scatter [tilespmem:s10], [sflag:$0x4], $0x7000, $0x38;
	[tilespmem:$0xE200] =	vst v63  }
.Ltmp1:
0x40: {  	_ =	swait.ge [sflag:s17], $0x7000;
	(pc) =	sbr.rel @p0 .LBB2_1-.Ltmp1, $4  }
0x41: {  	[sflag:s17] =	ssyncset.done $0x0  }
0x42: {  	[sflag:s17] =	ssyncadd.s32 $0xFFFF9000  }
0x43: {  	_ =	swait.ge [sflag:s18], $0x7000  }
0x44: {  	[sflag:s18] =	ssyncset.done $0x0  }
.LBB2_2:
0x45: {  	[sflag:s18] =	ssyncadd.s32 $0xFFFF9000  }
0x46: {  	_ =	sfence.sel $0x180000  }
0x47: {  	[bflag:$0x0] =	sbarrier.arrive $0xFFFF  }
0x48: {  	p0 =	sne.s32 s0, $0x0;
	_ =	strace $0x90000047  }
0x49: {  	s0 =	sadd.s32 @!p0 $0x100000, s2;
	[bflag:$0x2] =	sbarrier.arrive $0xFFFF  }
0x4a: {  	[sflag:s0] =	ssyncadd.tile.s32 @!p0 $0x1;
	_ =	shalt  }
.Lfunc_end2:
_tile_overlayer_lowered:
.L_overlay_start_2:
0x4b: {  	(tag) =	ssettag $0x2  }
0x4c: {  	s0 =	rddreg [dreg:$0x0];
	s2 =	stileid.u32  }
0x4d: {  	s1 =	rddreg [dreg:$0x1];
	p0 =	sne.s32 s2, $0x0  }
0x4e: {  	s3 =	rddreg [dreg:$0x2];
	[bflag:$0x3] =	sbarrier.arrive $0xFFFF;
	s2 =	simm.s32 @!p0 $0x1C05  }
0x4f: {  	[timem:s3], [sflag:s2] =	dma.local @!p0 [hbm:s0], s1  }
0x50: {  	s0 =	simm.s32 @!p0 $0x5  }
0x51: {  	_ =	swait.ge @!p0 [sflag:s0], s1  }
0x52: {  	s1 =	ssub.s32 @!p0 $0x0, s1;
	[sflag:s0] =	ssyncset.done @!p0 $0x0  }
0x53: {  	[sflag:s0] =	ssyncadd.s32 @!p0 s1  }
0x54: {  	[bflag:$0x3] =	sbarrier.arrive $0xFFFF  }
0x55: {  	_ =	shalt  }

// kernel: kernel.13.cloned.1.call-start
scs
__scs_entry_jumppad:
0x0: {  	(pc) =	sbr.rel $0x88, $3  }
0x1: {  	(tag) =	ssettag $0x0;
	lr =	simm.s32 $0x1  }
0x2: {  	[smem:$0x3F88] =	sst lr;
	_ =	strace $0xD0000000  }
0x3: {  	_ = 	snop  }
0x4: {  	_ = 	snop  }
0x5: {  	_ = 	snop  }
0x6: {  	_ = 	snop  }
0x7: {  	_ = 	snop  }
__scs_overlays_trampoline_lowered:
0x8: {  	[smem:$0x3F97] =	sst s0  }
0x9: {  	[smem:$0x3F98] =	sst s1  }
0xa: {  	[smem:$0x3F99] =	sst s2  }
0xb: {  	[smem:$0x3F9A] =	sst s3  }
0xc: {  	[smem:$0x3F9B] =	sst s4  }
0xd: {  	[smem:$0x3F9C] =	sst s5  }
0xe: {  	[smem:$0x3F9D] =	sst s6  }
0xf: {  	[smem:$0x3F9E] =	sst s7  }
0x10: {  	[smem:$0x3F9F] =	sst s8  }
0x11: {  	[smem:$0x3FA0] =	sst s9;
	s0 =	simm.s32 @!p0 $0x0  }
0x12: {  	s1 =	sld [smem:$0x3F86];
	s0 =	simm.s32 @p0 $0x1  }
0x13: {  	[smem:$0x3FA1] =	sst s0;
	s0 =	simm.s32 @!p1 $0x0  }
0x14: {  	s2 =	sld [smem:$0x3F85];
	s0 =	simm.s32 @p1 $0x1  }
0x15: {  	[smem:$0x3FA2] =	sst s0;
	s0 =	simm.s32 @!p2 $0x0  }
0x16: {  	s3 =	sld [smem:$0x3FDB];
	s0 =	simm.s32 @p2 $0x1  }
0x17: {  	s4 =	simm.s32 $0x1BF5;
	[smem:$0x3FA4] =	sst s0  }
0x18: {  	s0 =	sld [smem:$0x3F87];
	_ =	swait.ge [sflag:s4], $0x0  }
0x19: {  	s7 =	sld [smem:$0x3F88]  }
0x1a: {  	s8 =	sadd.s32 $0xFFFFE003, lr  }
0x1b: {  	s9 =	sadd.s32 $0xFFFFFEF7, lr;
	s5 =	simm.s32 $0xFFFFFFFF;
	p2 =	slt.u32 s8, $0xFFFFF086  }
0x1c: {  	p1 =	slt.u32 s9, $0xF7A;
	s5 =	simm.s32 @!p2 $0x0  }
0x1d: {  	s5 =	simm.s32 @p1 $0x1;
	p0 =	seq.s32 s7, s2  }
0x1e: {  	s7 =	smul.u32 @!p0 $0xF7A, s2;
	p2 =	seq.s32 @!p0 s5, $0x0  }
0x1f: {  	s9 =	smul.u32 $0xF7A, s1;
	s8 =	simm.s32 @!p0 $0x1BF5;
	p2 =	por !p2, p0  }
0x20: {  	[sflag:s8] =	ssyncset.s32 @!p0 $0xFFFFF086;
	s6 =	sadd.s32 @!p0 s3, s7;
	s7 =	simm.s32 @!p0 $0x108  }
0x21: {  	s3 =	sadd.s32 s3, s9;
	s6 =	sadd.s32 @!p0 $0x88, s6;
	s7 =	simm.s32 @p2 $0x1082  }
0x22: {  	[simem:s7], [sflag:s8] =	dma.local @!p0 [hbm:s6], $0xF7A  }
0x23: {  	s9 =	sor.u32 $0xD0000000, s2;
	s6 =	simm.s32 $0x108;
	_ =	swait.ge @!p0 [sflag:s8], $0x0  }
0x24: {  	s3 =	sadd.s32 $0x88, s3;
	s6 =	simm.s32 @!p1 $0x1082;
	[sflag:s4] =	ssyncset.s32 $0xFFFFF086  }
0x25: {  	[simem:s6], [sflag:s4] =	dma.local [hbm:s3], $0xF7A  }
0x26: {  	[smem:$0x3F88] =	sst s1;
	(tag) =	ssettag s2;
	_ =	strace s9  }
0x27: {  	s1 =	sld [smem:$0x3F98]  }
0x28: {  	s2 =	sld [smem:$0x3F99]  }
0x29: {  	s4 =	sld [smem:$0x3F9B]  }
0x2a: {  	p0 =	seq.s32 s5, $0x0;
	s5 =	sld [smem:$0x3F9C]  }
0x2b: {  	s6 =	sld [smem:$0x3F9D]  }
0x2c: {  	s7 =	sld [smem:$0x3F9E]  }
0x2d: {  	s3 =	simm.s32 $0x108;
	s8 =	sld [smem:$0x3F9F]  }
0x2e: {  	s3 =	simm.s32 @!p0 $0x1082;
	s9 =	sld [smem:$0x3FA0]  }
0x2f: {  	lr =	sadd.s32 s0, s3;
	s0 =	sld [smem:$0x3F97]  }
0x30: {  	s3 =	sld [smem:$0x3F9A]  }
0x31: {  	[smem:$0x3FA3] =	sst s10  }
0x32: {  	s10 =	sld [smem:$0x3FA1];
	_ =	sdelay $0x3  }
0x33: {  	p0 =	seq.s32 s10, $0x1;
	s10 =	sld [smem:$0x3FA3];
	_ =	sdelay $0x3  }
0x34: {  	[smem:$0x3FA3] =	sst s10  }
0x35: {  	s10 =	sld [smem:$0x3FA2];
	_ =	sdelay $0x3  }
0x36: {  	p1 =	seq.s32 s10, $0x1;
	s10 =	sld [smem:$0x3FA3];
	_ =	sdelay $0x3  }
0x37: {  	[smem:$0x3FA3] =	sst s10  }
0x38: {  	s10 =	sld [smem:$0x3FA4]  }
0x39: {  	_ = 	snop;
	(pc) =	sbr.ind lr, $3  }
0x3a: {  	_ = 	snop  }
0x3b: {  	_ = 	snop  }
0x3c: {  	p2 =	seq.s32 s10, $0x1;
	s10 =	sld [smem:$0x3FA3]  }
0x3d: {  	_ =	shalt  }
0x3e: {  	_ =	shalt  }
0x3f: {  	_ =	shalt  }
0x40: {  	_ =	shalt  }
0x41: {  	_ =	shalt  }
0x42: {  	_ =	shalt  }
0x43: {  	_ =	shalt  }
0x44: {  	_ =	shalt  }
0x45: {  	_ =	shalt  }
0x46: {  	_ =	shalt  }
0x47: {  	_ =	shalt  }
0x48: {  	_ =	shalt  }
0x49: {  	_ =	shalt  }
0x4a: {  	_ =	shalt  }
0x4b: {  	_ =	shalt  }
0x4c: {  	_ =	shalt  }
0x4d: {  	_ =	shalt  }
0x4e: {  	_ =	shalt  }
0x4f: {  	_ =	shalt  }
0x50: {  	_ =	shalt  }
0x51: {  	_ =	shalt  }
0x52: {  	_ =	shalt  }
0x53: {  	_ =	shalt  }
0x54: {  	_ =	shalt  }
0x55: {  	_ =	shalt  }
0x56: {  	_ =	shalt  }
0x57: {  	_ =	shalt  }
0x58: {  	_ =	shalt  }
0x59: {  	_ =	shalt  }
0x5a: {  	_ =	shalt  }
0x5b: {  	_ =	shalt  }
0x5c: {  	_ =	shalt  }
0x5d: {  	_ =	shalt  }
0x5e: {  	_ =	shalt  }
0x5f: {  	_ =	shalt  }
0x60: {  	_ =	shalt  }
0x61: {  	_ =	shalt  }
0x62: {  	_ =	shalt  }
0x63: {  	_ =	shalt  }
0x64: {  	_ =	shalt  }
0x65: {  	_ =	shalt  }
0x66: {  	_ =	shalt  }
0x67: {  	_ =	shalt  }
0x68: {  	_ =	shalt  }
0x69: {  	_ =	shalt  }
0x6a: {  	_ =	shalt  }
0x6b: {  	_ =	shalt  }
0x6c: {  	_ =	shalt  }
0x6d: {  	_ =	shalt  }
0x6e: {  	_ =	shalt  }
0x6f: {  	_ =	shalt  }
0x70: {  	_ =	shalt  }
0x71: {  	_ =	shalt  }
0x72: {  	_ =	shalt  }
0x73: {  	_ =	shalt  }
0x74: {  	_ =	shalt  }
0x75: {  	_ =	shalt  }
0x76: {  	_ =	shalt  }
0x77: {  	_ =	shalt  }
0x78: {  	_ =	shalt  }
0x79: {  	_ =	shalt  }
0x7a: {  	_ =	shalt  }
0x7b: {  	_ =	shalt  }
0x7c: {  	_ =	shalt  }
0x7d: {  	_ =	shalt  }
0x7e: {  	_ =	shalt  }
0x7f: {  	_ =	shalt  }
0x80: {  	_ =	shalt  }
0x81: {  	_ =	shalt  }
0x82: {  	_ =	shalt  }
0x83: {  	_ =	shalt  }
0x84: {  	_ =	shalt  }
0x85: {  	_ =	shalt  }
0x86: {  	_ =	shalt  }
0x87: {  	_ =	shalt  }
.Lfunc_end0:
.L_simem_size_0:
called_computation.1_lowered:
.L_overlay_start_0:
0x88: {  	s2 =	sld [smem:$0x3FD9]  }
0x89: {  	s3 =	sld [smem:$0x3FFE];
	_ =	sdelay $0x1  }
0x8a: {  	s1 =	srdreg.scid  }
0x8b: {  	s0 =	sand.u32 $0x1, s1  }
0x8c: {  	s17 =	sshll.u32 s0, $0xA;
	s2 =	sadd.s32 s3, s2  }
0x8d: {  	s2 =	sadd.s32 s2, s17  }
0x8e: {  	[smem:$0x3FAF] =	sst s2  }
0x8f: {  	_ = 	snop  }
0x90: {  	s18 =	sld [smem:$0x3FC9]  }
0x91: {  	s4 =	sld [smem:$0x3FBE];
	(tm) =	ssettm $0x1  }
0x92: {  	s19 =	sld [smem:$0x3FFB];
	_ =	sdelay $0x3  }
0x93: {  	_ =	strace s19  }
0x94: {  	s2 =	sld [smem:$0x3FFC];
	_ =	sdelay $0x3  }
0x95: {  	_ =	strace s2  }
0x96: {  	s2 =	sld [smem:$0x3FFD];
	_ =	sdelay $0x3  }
0x97: {  	_ =	strace s2  }
0x98: {  	_ =	strace $0x8FFFFFFF  }
0x99: {  	s20 =	sld [smem:$0x3FDB];
	_ =	sdelay $0x1  }
0x9a: {  	s5 =	simm.s32 $_scs_section_size  }
0x9b: {  	s6 =	simm.s32 $_size__tile_overlayer_lowered;
	s7 =	simm.s32 $_tile_overlayer_lowered  }
0x9c: {  	s8 =	simm.s32 $0x1BFF;
	s21 =	sshll.u32 s7, $0x1;
	s5 =	sadd.s32 s5, s20  }
0x9d: {  	s22 =	simm.s32 $0x0;
	s6 =	sshll.u32 s6, $0x1;
	s7 =	sadd.s32 s21, s5  }
0x9e: {  	[timem:s22], [sflag:s8] =	dma.local [hbm:s7], s6  }
0x9f: {  	_ =	swait.ge [sflag:s8], s6  }
0xa0: {  	s6 =	ssub.s32 $0x0, s6;
	[sflag:s8] =	ssyncset.done $0x0  }
0xa1: {  	[sflag:s8] =	ssyncadd.s32 s6;
	_ =	sdelay $0x1  }
0xa2: {  	s23 =	simm.s32 $0x1B8B  }
0xa3: {  	_ =	swait.ge [sflag:s23], $0x1  }
0xa4: {  	[sflag:s23] =	ssyncset.done $0x0  }
0xa5: {  	[sflag:s23] =	ssyncadd.s32 $0xFFFFFFFF  }
0xa6: {  	s6 =	sld [smem:$0x0]  }
0xa7: {  	s7 =	sand.u32 $0xFFFFFFFE, s1  }
0xa8: {  	p0 =	sne.s32 s1, s7  }
0xa9: {  	s7 =	sshll.u32 @p0 s7, $0xE  }
0xaa: {  	s7 =	sadd.s32 @p0 $0x11B8D, s7;
	s8 =	sshll.u32 @p0 s6, $0x11  }
0xab: {  	s7 =	sor.u32 @p0 s8, s7  }
0xac: {  	[sflag:s7] =	ssyncadd.remote.s32 @p0 $0x1;
	_ =	sdelay $0x1  }
0xad: {  	s7 =	simm.s32 @p0 $0x1B8D  }
0xae: {  	_ =	swait.eq @p0 [sflag:s7], $0x1  }
0xaf: {  	[sflag:s7] =	ssyncadd.s32 @p0 $0xFFFFFFFF  }
0xb0: {  	s8 =	sshll.u32 @!p0 s1, $0xE  }
0xb1: {  	s8 =	sor.u32 @!p0 $0x4000, s8;
	s7 =	simm.s32 @!p0 $0x1B8D  }
0xb2: {  	s6 =	sshll.u32 @!p0 s6, $0x11;
	s8 =	sadd.s32 @!p0 $0x11B8D, s8;
	_ =	swait.eq @!p0 [sflag:s7], $0x1  }
0xb3: {  	s6 =	sor.u32 @!p0 s6, s8;
	[sflag:s7] =	ssyncadd.s32 @!p0 $0xFFFFFFFF  }
0xb4: {  	s25 =	simm.s32 $0x1B8E;
	s24 =	sld [smem:$0x3FFE];
	[sflag:s6] =	ssyncadd.remote.s32 @!p0 $0x1  }
0xb5: {  	s26 =	simm.s32 $execute0_lowered;
	[smem:$0x3FD2] =	sst s25  }
0xb6: {  	s7 =	sshll.u32 s26, $0x1;
	_ =	strace $0x80000049;
	[dreg:$0x1] =	wrdreg $0xFFFFFFFF  }
0xb7: {  	s28 =	simm.s32 $_size_execute0_lowered;
	s5 =	sadd.s32 s5, s7;
	[dreg:$0x0] =	wrdreg $0x0  }
0xb8: {  	s7 =	sshll.u32 s28, $0x1;
	[dreg:$0x2] =	wrdreg s5  }
0xb9: {  	[dreg:$0x3] =	wrdreg s7  }
0xba: {  	[dreg:$0x4] =	wrdreg $0xC0  }
0xbb: {  	_ =	task [dreg:s22], $0x5FFFF  }
0xbc: {  	[dreg:$0x1] =	wrdreg $0xFFFFFFFF  }
0xbd: {  	[dreg:$0x0] =	wrdreg $0x60  }
0xbe: {  	[dreg:$0x2] =	wrdreg s4  }
0xbf: {  	[dreg:$0x3] =	wrdreg s18  }
0xc0: {  	[dreg:$0x4] =	wrdreg s24  }
0xc1: {  	[dreg:$0x5] =	wrdreg $0xA  }
0xc2: {  	_ =	task.clear_ibuf [dreg:s22], $0x6FFFF;
	_ =	strace $0x90000049  }
0xc3: {  	s29 =	simm.s32 $0xA;
	_ =	strace $0x8000004B  }
0xc4: {  	_ =	swait.ge [sflag:s29], $0x1  }
0xc5: {  	[sflag:s29] =	ssyncadd.s32 $0xFFFFFFFF  }
0xc6: {  	_ =	strace $0x9000004B  }
0xc7: {  	_ =	sfence  }
0xc8: {  	s30 =	sld [smem:$0x0];
	_ =	sdelay $0x2  }
0xc9: {  	s31 =	sshll.u32 s1, $0xD;
	s1 =	sshrl.u32 s1, $0x2  }
0xca: {  	s4 =	sand.u32 $0x4000, s31;
	s1 =	sadd.s32 s1, s30  }
0xcb: {  	s0 =	sor.u32 s4, s0;
	s1 =	sshll.u32 s1, $0x11  }
0xcc: {  	s0 =	sor.u32 s1, s0  }
0xcd: {  	s0 =	sadd.s32 $0x8F2B, s0  }
0xce: {  	[sflag:s0] =	ssyncadd.remote.s32 $0x1  }
0xcf: {  	_ =	sfence.sel $0xFFFF  }
0xd0: {  	[dreg:$0x0] =	wrdreg $0xFFFFFFFF;
	(pc) =	sbr.abs _section_cstart, $3  }
0xd1: {  	[dreg:$0x1] =	wrdreg $0xFFFFFFFF  }
0xd2: {  	_ =	task.clear_ibuf [dreg:s22], $0x2FFFF;
	_ =	strace $0x9FFFFFFF  }
0xd3: {  	(tm) =	ssettm $0x7FFFFFFF  }
tec
execute0_lowered:
.L_overlay_start_1:
0x0: {  	(tag) =	ssettag $0x1  }
0x1: {  	s1 =	srdreg.scid;
	s0 =	stileid.u32  }
0x2: {  	s16 =	sand.u32 $0x1, s1;
	s29 =	sshll.u32 s0, $0x1  }
0x3: {  	s2 =	rddreg [dreg:$0x0];
	s17 =	sor.u32 s16, s29  }
0x4: {  	s4 =	rddreg [dreg:$0x1];
	s5 =	smul.u32 $0x1C0, s17  }
0x5: {  	s14 =	rddreg [dreg:$0x2]  }
0x6: {  	s3 =	simm.s32 $0x0;
	s1 =	rddreg [dreg:$0x3];
	s5 =	sshrl.u32 s5, $0x3  }
0x7: {  	[smem:$0x7FF] =	sst s3;
	s4 =	sadd.s32 s4, s5  }
0x8: {  	_ =	strace $0x8000004A;
	s5 =	simm.s32 $0x5;
	s4 =	sadd.s32 $0x700, s4  }
0x9: {  	[tilespmem:s3], [sflag:$0x5] =	stream.linear.gather [hbm4b:s4+s3], $0x1C0, $0x38;
	[tilespmem:$0xE200] =	vst v63  }
0xa: {  	_ =	swait.ge [sflag:s5], $0x1C0  }
0xb: {  	[sflag:s5] =	ssyncset.done $0x0  }
0xc: {  	s6 =	simm.s32 $0x70;
	s7 =	simm.s32 $0x200;
	[sflag:s5] =	ssyncadd.s32 $0xFFFFFE40  }
0xd: {  	[tilespmem:s7], [sflag:$0x1] =	stream.indirect.gather [hbm4b:s2+s6], $0x80, s3, s6, $0xb8;
	[tilespmem:$0xE200] =	vst v63  }
0xe: {  	s8 =	simm.s32 $0x3A00  }
0xf: {  	[tilespmem:s8], [sflag:$0x1] =	stream.indirect.gather [hbm4b:s2+s6], $0x80, s6, s6, $0xb8;
	[tilespmem:$0xE200] =	vst v63  }
0x10: {  	s9 =	simm.s32 $0xE0;
	s10 =	simm.s32 $0x7200  }
0x11: {  	[tilespmem:s10], [sflag:$0x2] =	stream.indirect.gather [hbm4b:s2+s6], $0x80, s9, s6, $0xb8;
	[tilespmem:$0xE200] =	vst v63  }
0x12: {  	s11 =	simm.s32 $0x150;
	s12 =	simm.s32 $0xAA00;
	s13 =	simm.s32 $0x1  }
0x13: {  	[tilespmem:s12], [sflag:$0x2] =	stream.indirect.gather [hbm4b:s2+s6], $0x80, s11, s6, $0xb8;
	[tilespmem:$0xE200] =	vst v63  }
0x14: {  	_ =	swait.ge [sflag:s13], $0x3800  }
0x15: {  	[sflag:s13] =	ssyncset.done $0x0  }
0x16: {  	[sflag:s13] =	ssyncadd.s32 $0xFFFFC800  }
0x17: {  	s15 =	smul.u32 $0x1C00, s17;
	_ =	swait.ge [sflag:s13], $0x3800  }
0x18: {  	s18 =	sadd.s32 $0x3D200, s14;
	[sflag:s13] =	ssyncset.done $0x0  }
0x19: {  	s14 =	sadd.s32 s18, s15;
	s15 =	simm.s32 $0x2;
	[sflag:s13] =	ssyncadd.s32 $0xFFFFC800  }
0x1a: {  	[hbm4b:s14+s3] =	stream.linear.scatter [tilespmem:s7], [sflag:$0x3], $0x7000, $0x38;
	[tilespmem:$0xE200] =	vst v63  }
0x1b: {  	s17 =	smul.u32 $0xE000, s17;
	_ =	swait.ge [sflag:s15], $0x3800  }
0x1c: {  	s19 =	ssub.s32 $0x2, s16;
	[sflag:s15] =	ssyncset.done $0x0  }
0x1d: {  	s31 =	sshrl.u32 s19, $0x1;
	s17 =	sshrl.u32 s17, $0x3;
	[sflag:s15] =	ssyncadd.s32 $0xFFFFC800  }
0x1e: {  	s30 =	sadd.s32 s18, s17;
	s18 =	ssub.s32 s19, s31;
	_ =	swait.ge [sflag:s15], $0x3800  }
0x1f: {  	s17 =	simm.s32 $0x3;
	s19 =	smax.u32 s18, $0x1;
	[sflag:s15] =	ssyncset.done $0x0  }
0x20: {  	s16 =	sadd.s32 $0xE00, s30;
	p0 =	sne.s32 s19, $0x1;
	[sflag:s15] =	ssyncadd.s32 $0xFFFFC800  }
0x21: {  	[hbm4b:s16+s3] =	stream.linear.scatter [tilespmem:s10], [sflag:$0x4], $0x7000, $0x38;
	[tilespmem:$0xE200] =	vst v63  }
.Ltmp0:
0x22: {  	_ =	swait.ge [sflag:s17], $0x7000;
	(pc) =	sbr.rel @!p0 .LBB2_2-.Ltmp0, $4  }
0x23: {  	[sflag:s17] =	ssyncset.done $0x0  }
0x24: {  	s18 =	simm.s32 $0x4;
	[sflag:s17] =	ssyncadd.s32 $0xFFFF9000  }
0x25: {  	_ =	swait.ge [sflag:s18], $0x7000  }
0x26: {  	s19 =	sadd.s32 $0xFFFFFFFF, s19;
	[sflag:s18] =	ssyncset.done $0x0  }
.LBB2_1:
0x27: {  	p0 =	sne.s32 s19, $0x1;
	s19 =	sadd.s32 $0xFFFFFFFF, s19;
	[sflag:s18] =	ssyncadd.s32 $0xFFFF9000  }
0x28: {  	[tilespmem:s3], [sflag:$0x5] =	stream.linear.gather [hbm4b:s4+s3], $0x1C0, $0x38;
	[tilespmem:$0xE200] =	vst v63  }
0x29: {  	_ =	swait.ge [sflag:s5], $0x1C0  }
0x2a: {  	[sflag:s5] =	ssyncset.done $0x0  }
0x2b: {  	[sflag:s5] =	ssyncadd.s32 $0xFFFFFE40  }
0x2c: {  	[tilespmem:s7], [sflag:$0x1] =	stream.indirect.gather [hbm4b:s2+s6], $0x80, s3, s6, $0xb8;
	[tilespmem:$0xE200] =	vst v63  }
0x2d: {  	_ = 	snop  }
0x2e: {  	[tilespmem:s8], [sflag:$0x1] =	stream.indirect.gather [hbm4b:s2+s6], $0x80, s6, s6, $0xb8;
	[tilespmem:$0xE200] =	vst v63  }
0x2f: {  	_ = 	snop  }
0x30: {  	[tilespmem:s10], [sflag:$0x2] =	stream.indirect.gather [hbm4b:s2+s6], $0x80, s9, s6, $0xb8;
	[tilespmem:$0xE200] =	vst v63  }
0x31: {  	_ = 	snop  }
0x32: {  	[tilespmem:s12], [sflag:$0x2] =	stream.indirect.gather [hbm4b:s2+s6], $0x80, s11, s6, $0xb8;
	[tilespmem:$0xE200] =	vst v63  }
0x33: {  	_ =	swait.ge [sflag:s13], $0x3800  }
0x34: {  	[sflag:s13] =	ssyncset.done $0x0  }
0x35: {  	[sflag:s13] =	ssyncadd.s32 $0xFFFFC800  }
0x36: {  	_ =	swait.ge [sflag:s13], $0x3800  }
0x37: {  	[sflag:s13] =	ssyncset.done $0x0  }
0x38: {  	[sflag:s13] =	ssyncadd.s32 $0xFFFFC800  }
0x39: {  	[hbm4b:s14+s3] =	stream.linear.scatter [tilespmem:s7], [sflag:$0x3], $0x7000, $0x38;
	[tilespmem:$0xE200] =	vst v63  }
0x3a: {  	_ =	swait.ge [sflag:s15], $0x3800  }
0x3b: {  	[sflag:s15] =	ssyncset.done $0x0  }
0x3c: {  	[sflag:s15] =	ssyncadd.s32 $0xFFFFC800  }
0x3d: {  	_ =	swait.ge [sflag:s15], $0x3800  }
0x3e: {  	[sflag:s15] =	ssyncset.done $0x0  }
0x3f: {  	[sflag:s15] =	ssyncadd.s32 $0xFFFFC800  }
0x40: {  	[hbm4b:s16+s3] =	stream.linear.scatter [tilespmem:s10], [sflag:$0x4], $0x7000, $0x38;
	[tilespmem:$0xE200] =	vst v63  }
.Ltmp1:
0x41: {  	_ =	swait.ge [sflag:s17], $0x7000;
	(pc) =	sbr.rel @p0 .LBB2_1-.Ltmp1, $4  }
0x42: {  	[sflag:s17] =	ssyncset.done $0x0  }
0x43: {  	[sflag:s17] =	ssyncadd.s32 $0xFFFF9000  }
0x44: {  	_ =	swait.ge [sflag:s18], $0x7000  }
0x45: {  	[sflag:s18] =	ssyncset.done $0x0  }
.LBB2_2:
0x46: {  	[sflag:s18] =	ssyncadd.s32 $0xFFFF9000  }
0x47: {  	_ =	sfence.sel $0x180000  }
0x48: {  	[bflag:$0x0] =	sbarrier.arrive $0xFFFF  }
0x49: {  	p0 =	sne.s32 s0, $0x0;
	_ =	strace $0x9000004A  }
0x4a: {  	s0 =	sadd.s32 @!p0 $0x100000, s1;
	[bflag:$0x2] =	sbarrier.arrive $0xFFFF  }
0x4b: {  	[sflag:s0] =	ssyncadd.tile.s32 @!p0 $0x1;
	_ =	shalt  }
.Lfunc_end2:
_tile_overlayer_lowered:
.L_overlay_start_2:
0x4c: {  	(tag) =	ssettag $0x2  }
0x4d: {  	s0 =	rddreg [dreg:$0x0];
	s2 =	stileid.u32  }
0x4e: {  	s1 =	rddreg [dreg:$0x1];
	p0 =	sne.s32 s2, $0x0  }
0x4f: {  	s3 =	rddreg [dreg:$0x2];
	[bflag:$0x3] =	sbarrier.arrive $0xFFFF;
	s2 =	simm.s32 @!p0 $0x1C05  }
0x50: {  	[timem:s3], [sflag:s2] =	dma.local @!p0 [hbm:s0], s1  }
0x51: {  	s0 =	simm.s32 @!p0 $0x5  }
0x52: {  	_ =	swait.ge @!p0 [sflag:s0], s1  }
0x53: {  	s1 =	ssub.s32 @!p0 $0x0, s1;
	[sflag:s0] =	ssyncset.done @!p0 $0x0  }
0x54: {  	[sflag:s0] =	ssyncadd.s32 @!p0 s1  }
0x55: {  	[bflag:$0x3] =	sbarrier.arrive $0xFFFF  }
0x56: {  	_ =	shalt  }

// kernel: kernel.16.cloned.1.call-start
scs
__scs_entry_jumppad:
0x0: {  	(pc) =	sbr.rel $0x88, $3  }
0x1: {  	(tag) =	ssettag $0x0;
	lr =	simm.s32 $0x1  }
0x2: {  	[smem:$0x3F88] =	sst lr;
	_ =	strace $0xD0000000  }
0x3: {  	_ = 	snop  }
0x4: {  	_ = 	snop  }
0x5: {  	_ = 	snop  }
0x6: {  	_ = 	snop  }
0x7: {  	_ = 	snop  }
__scs_overlays_trampoline_lowered:
0x8: {  	[smem:$0x3F97] =	sst s0  }
0x9: {  	[smem:$0x3F98] =	sst s1  }
0xa: {  	[smem:$0x3F99] =	sst s2  }
0xb: {  	[smem:$0x3F9A] =	sst s3  }
0xc: {  	[smem:$0x3F9B] =	sst s4  }
0xd: {  	[smem:$0x3F9C] =	sst s5  }
0xe: {  	[smem:$0x3F9D] =	sst s6  }
0xf: {  	[smem:$0x3F9E] =	sst s7  }
0x10: {  	[smem:$0x3F9F] =	sst s8  }
0x11: {  	[smem:$0x3FA0] =	sst s9;
	s0 =	simm.s32 @!p0 $0x0  }
0x12: {  	s1 =	sld [smem:$0x3F86];
	s0 =	simm.s32 @p0 $0x1  }
0x13: {  	[smem:$0x3FA1] =	sst s0;
	s0 =	simm.s32 @!p1 $0x0  }
0x14: {  	s2 =	sld [smem:$0x3F85];
	s0 =	simm.s32 @p1 $0x1  }
0x15: {  	[smem:$0x3FA2] =	sst s0;
	s0 =	simm.s32 @!p2 $0x0  }
0x16: {  	s3 =	sld [smem:$0x3FDB];
	s0 =	simm.s32 @p2 $0x1  }
0x17: {  	s4 =	simm.s32 $0x1BF5;
	[smem:$0x3FA4] =	sst s0  }
0x18: {  	s0 =	sld [smem:$0x3F87];
	_ =	swait.ge [sflag:s4], $0x0  }
0x19: {  	s7 =	sld [smem:$0x3F88]  }
0x1a: {  	s8 =	sadd.s32 $0xFFFFE003, lr  }
0x1b: {  	s9 =	sadd.s32 $0xFFFFFEF7, lr;
	s5 =	simm.s32 $0xFFFFFFFF;
	p2 =	slt.u32 s8, $0xFFFFF086  }
0x1c: {  	p1 =	slt.u32 s9, $0xF7A;
	s5 =	simm.s32 @!p2 $0x0  }
0x1d: {  	s5 =	simm.s32 @p1 $0x1;
	p0 =	seq.s32 s7, s2  }
0x1e: {  	s7 =	smul.u32 @!p0 $0xF7A, s2;
	p2 =	seq.s32 @!p0 s5, $0x0  }
0x1f: {  	s9 =	smul.u32 $0xF7A, s1;
	s8 =	simm.s32 @!p0 $0x1BF5;
	p2 =	por !p2, p0  }
0x20: {  	[sflag:s8] =	ssyncset.s32 @!p0 $0xFFFFF086;
	s6 =	sadd.s32 @!p0 s3, s7;
	s7 =	simm.s32 @!p0 $0x108  }
0x21: {  	s3 =	sadd.s32 s3, s9;
	s6 =	sadd.s32 @!p0 $0x88, s6;
	s7 =	simm.s32 @p2 $0x1082  }
0x22: {  	[simem:s7], [sflag:s8] =	dma.local @!p0 [hbm:s6], $0xF7A  }
0x23: {  	s9 =	sor.u32 $0xD0000000, s2;
	s6 =	simm.s32 $0x108;
	_ =	swait.ge @!p0 [sflag:s8], $0x0  }
0x24: {  	s3 =	sadd.s32 $0x88, s3;
	s6 =	simm.s32 @!p1 $0x1082;
	[sflag:s4] =	ssyncset.s32 $0xFFFFF086  }
0x25: {  	[simem:s6], [sflag:s4] =	dma.local [hbm:s3], $0xF7A  }
0x26: {  	[smem:$0x3F88] =	sst s1;
	(tag) =	ssettag s2;
	_ =	strace s9  }
0x27: {  	s1 =	sld [smem:$0x3F98]  }
0x28: {  	s2 =	sld [smem:$0x3F99]  }
0x29: {  	s4 =	sld [smem:$0x3F9B]  }
0x2a: {  	p0 =	seq.s32 s5, $0x0;
	s5 =	sld [smem:$0x3F9C]  }
0x2b: {  	s6 =	sld [smem:$0x3F9D]  }
0x2c: {  	s7 =	sld [smem:$0x3F9E]  }
0x2d: {  	s3 =	simm.s32 $0x108;
	s8 =	sld [smem:$0x3F9F]  }
0x2e: {  	s3 =	simm.s32 @!p0 $0x1082;
	s9 =	sld [smem:$0x3FA0]  }
0x2f: {  	lr =	sadd.s32 s0, s3;
	s0 =	sld [smem:$0x3F97]  }
0x30: {  	s3 =	sld [smem:$0x3F9A]  }
0x31: {  	[smem:$0x3FA3] =	sst s10  }
0x32: {  	s10 =	sld [smem:$0x3FA1];
	_ =	sdelay $0x3  }
0x33: {  	p0 =	seq.s32 s10, $0x1;
	s10 =	sld [smem:$0x3FA3];
	_ =	sdelay $0x3  }
0x34: {  	[smem:$0x3FA3] =	sst s10  }
0x35: {  	s10 =	sld [smem:$0x3FA2];
	_ =	sdelay $0x3  }
0x36: {  	p1 =	seq.s32 s10, $0x1;
	s10 =	sld [smem:$0x3FA3];
	_ =	sdelay $0x3  }
0x37: {  	[smem:$0x3FA3] =	sst s10  }
0x38: {  	s10 =	sld [smem:$0x3FA4]  }
0x39: {  	_ = 	snop;
	(pc) =	sbr.ind lr, $3  }
0x3a: {  	_ = 	snop  }
0x3b: {  	_ = 	snop  }
0x3c: {  	p2 =	seq.s32 s10, $0x1;
	s10 =	sld [smem:$0x3FA3]  }
0x3d: {  	_ =	shalt  }
0x3e: {  	_ =	shalt  }
0x3f: {  	_ =	shalt  }
0x40: {  	_ =	shalt  }
0x41: {  	_ =	shalt  }
0x42: {  	_ =	shalt  }
0x43: {  	_ =	shalt  }
0x44: {  	_ =	shalt  }
0x45: {  	_ =	shalt  }
0x46: {  	_ =	shalt  }
0x47: {  	_ =	shalt  }
0x48: {  	_ =	shalt  }
0x49: {  	_ =	shalt  }
0x4a: {  	_ =	shalt  }
0x4b: {  	_ =	shalt  }
0x4c: {  	_ =	shalt  }
0x4d: {  	_ =	shalt  }
0x4e: {  	_ =	shalt  }
0x4f: {  	_ =	shalt  }
0x50: {  	_ =	shalt  }
0x51: {  	_ =	shalt  }
0x52: {  	_ =	shalt  }
0x53: {  	_ =	shalt  }
0x54: {  	_ =	shalt  }
0x55: {  	_ =	shalt  }
0x56: {  	_ =	shalt  }
0x57: {  	_ =	shalt  }
0x58: {  	_ =	shalt  }
0x59: {  	_ =	shalt  }
0x5a: {  	_ =	shalt  }
0x5b: {  	_ =	shalt  }
0x5c: {  	_ =	shalt  }
0x5d: {  	_ =	shalt  }
0x5e: {  	_ =	shalt  }
0x5f: {  	_ =	shalt  }
0x60: {  	_ =	shalt  }
0x61: {  	_ =	shalt  }
0x62: {  	_ =	shalt  }
0x63: {  	_ =	shalt  }
0x64: {  	_ =	shalt  }
0x65: {  	_ =	shalt  }
0x66: {  	_ =	shalt  }
0x67: {  	_ =	shalt  }
0x68: {  	_ =	shalt  }
0x69: {  	_ =	shalt  }
0x6a: {  	_ =	shalt  }
0x6b: {  	_ =	shalt  }
0x6c: {  	_ =	shalt  }
0x6d: {  	_ =	shalt  }
0x6e: {  	_ =	shalt  }
0x6f: {  	_ =	shalt  }
0x70: {  	_ =	shalt  }
0x71: {  	_ =	shalt  }
0x72: {  	_ =	shalt  }
0x73: {  	_ =	shalt  }
0x74: {  	_ =	shalt  }
0x75: {  	_ =	shalt  }
0x76: {  	_ =	shalt  }
0x77: {  	_ =	shalt  }
0x78: {  	_ =	shalt  }
0x79: {  	_ =	shalt  }
0x7a: {  	_ =	shalt  }
0x7b: {  	_ =	shalt  }
0x7c: {  	_ =	shalt  }
0x7d: {  	_ =	shalt  }
0x7e: {  	_ =	shalt  }
0x7f: {  	_ =	shalt  }
0x80: {  	_ =	shalt  }
0x81: {  	_ =	shalt  }
0x82: {  	_ =	shalt  }
0x83: {  	_ =	shalt  }
0x84: {  	_ =	shalt  }
0x85: {  	_ =	shalt  }
0x86: {  	_ =	shalt  }
0x87: {  	_ =	shalt  }
.Lfunc_end0:
.L_simem_size_0:
called_computation.2_lowered:
.L_overlay_start_0:
0x88: {  	s2 =	sld [smem:$0x3FD9]  }
0x89: {  	s3 =	sld [smem:$0x3FFE];
	_ =	sdelay $0x1  }
0x8a: {  	s1 =	srdreg.scid  }
0x8b: {  	s0 =	sand.u32 $0x1, s1  }
0x8c: {  	s17 =	sshll.u32 s0, $0xA;
	s2 =	sadd.s32 s3, s2  }
0x8d: {  	s2 =	sadd.s32 s2, s17  }
0x8e: {  	[smem:$0x3FAF] =	sst s2  }
0x8f: {  	_ = 	snop  }
0x90: {  	s18 =	sld [smem:$0x3FC9]  }
0x91: {  	s4 =	sld [smem:$0x3FBE];
	(tm) =	ssettm $0x1  }
0x92: {  	s19 =	sld [smem:$0x3FFB];
	_ =	sdelay $0x3  }
0x93: {  	_ =	strace s19  }
0x94: {  	s2 =	sld [smem:$0x3FFC];
	_ =	sdelay $0x3  }
0x95: {  	_ =	strace s2  }
0x96: {  	s2 =	sld [smem:$0x3FFD];
	_ =	sdelay $0x3  }
0x97: {  	_ =	strace s2  }
0x98: {  	_ =	strace $0x8FFFFFFF  }
0x99: {  	s20 =	sld [smem:$0x3FDB];
	_ =	sdelay $0x1  }
0x9a: {  	s5 =	simm.s32 $_scs_section_size  }
0x9b: {  	s6 =	simm.s32 $_size__tile_overlayer_lowered;
	s7 =	simm.s32 $_tile_overlayer_lowered  }
0x9c: {  	s8 =	simm.s32 $0x1BFF;
	s21 =	sshll.u32 s7, $0x1;
	s5 =	sadd.s32 s5, s20  }
0x9d: {  	s22 =	simm.s32 $0x0;
	s6 =	sshll.u32 s6, $0x1;
	s7 =	sadd.s32 s21, s5  }
0x9e: {  	[timem:s22], [sflag:s8] =	dma.local [hbm:s7], s6  }
0x9f: {  	_ =	swait.ge [sflag:s8], s6  }
0xa0: {  	s6 =	ssub.s32 $0x0, s6;
	[sflag:s8] =	ssyncset.done $0x0  }
0xa1: {  	[sflag:s8] =	ssyncadd.s32 s6;
	_ =	sdelay $0x1  }
0xa2: {  	s23 =	simm.s32 $0x1B8B  }
0xa3: {  	_ =	swait.ge [sflag:s23], $0x1  }
0xa4: {  	[sflag:s23] =	ssyncset.done $0x0  }
0xa5: {  	[sflag:s23] =	ssyncadd.s32 $0xFFFFFFFF  }
0xa6: {  	s6 =	sld [smem:$0x0]  }
0xa7: {  	s7 =	sand.u32 $0xFFFFFFFE, s1  }
0xa8: {  	p0 =	sne.s32 s1, s7  }
0xa9: {  	s7 =	sshll.u32 @p0 s7, $0xE  }
0xaa: {  	s7 =	sadd.s32 @p0 $0x11B8D, s7;
	s8 =	sshll.u32 @p0 s6, $0x11  }
0xab: {  	s7 =	sor.u32 @p0 s8, s7  }
0xac: {  	[sflag:s7] =	ssyncadd.remote.s32 @p0 $0x1;
	_ =	sdelay $0x1  }
0xad: {  	s7 =	simm.s32 @p0 $0x1B8D  }
0xae: {  	_ =	swait.eq @p0 [sflag:s7], $0x1  }
0xaf: {  	[sflag:s7] =	ssyncadd.s32 @p0 $0xFFFFFFFF  }
0xb0: {  	s8 =	sshll.u32 @!p0 s1, $0xE  }
0xb1: {  	s8 =	sor.u32 @!p0 $0x4000, s8;
	s7 =	simm.s32 @!p0 $0x1B8D  }
0xb2: {  	s6 =	sshll.u32 @!p0 s6, $0x11;
	s8 =	sadd.s32 @!p0 $0x11B8D, s8;
	_ =	swait.eq @!p0 [sflag:s7], $0x1  }
0xb3: {  	s6 =	sor.u32 @!p0 s6, s8;
	[sflag:s7] =	ssyncadd.s32 @!p0 $0xFFFFFFFF  }
0xb4: {  	s25 =	simm.s32 $0x1B8E;
	s24 =	sld [smem:$0x3FFE];
	[sflag:s6] =	ssyncadd.remote.s32 @!p0 $0x1  }
0xb5: {  	s26 =	simm.s32 $execute0_lowered;
	[smem:$0x3FD2] =	sst s25  }
0xb6: {  	s7 =	sshll.u32 s26, $0x1;
	_ =	strace $0x8000004C;
	[dreg:$0x1] =	wrdreg $0xFFFFFFFF  }
0xb7: {  	s28 =	simm.s32 $_size_execute0_lowered;
	s5 =	sadd.s32 s5, s7;
	[dreg:$0x0] =	wrdreg $0x0  }
0xb8: {  	s7 =	sshll.u32 s28, $0x1;
	[dreg:$0x2] =	wrdreg s5  }
0xb9: {  	[dreg:$0x3] =	wrdreg s7  }
0xba: {  	[dreg:$0x4] =	wrdreg $0xC0  }
0xbb: {  	_ =	task [dreg:s22], $0x5FFFF  }
0xbc: {  	[dreg:$0x1] =	wrdreg $0xFFFFFFFF  }
0xbd: {  	[dreg:$0x0] =	wrdreg $0x60  }
0xbe: {  	[dreg:$0x2] =	wrdreg s4  }
0xbf: {  	[dreg:$0x3] =	wrdreg s18  }
0xc0: {  	[dreg:$0x4] =	wrdreg s24  }
0xc1: {  	[dreg:$0x5] =	wrdreg $0xB  }
0xc2: {  	_ =	task.clear_ibuf [dreg:s22], $0x6FFFF;
	_ =	strace $0x9000004C  }
0xc3: {  	s29 =	simm.s32 $0xB;
	_ =	strace $0x8000004E  }
0xc4: {  	_ =	swait.ge [sflag:s29], $0x1  }
0xc5: {  	[sflag:s29] =	ssyncadd.s32 $0xFFFFFFFF  }
0xc6: {  	_ =	strace $0x9000004E  }
0xc7: {  	_ =	sfence  }
0xc8: {  	s30 =	sld [smem:$0x0];
	_ =	sdelay $0x2  }
0xc9: {  	s31 =	sshll.u32 s1, $0xD;
	s1 =	sshrl.u32 s1, $0x2  }
0xca: {  	s4 =	sand.u32 $0x4000, s31;
	s1 =	sadd.s32 s1, s30  }
0xcb: {  	s0 =	sor.u32 s4, s0;
	s1 =	sshll.u32 s1, $0x11  }
0xcc: {  	s0 =	sor.u32 s1, s0  }
0xcd: {  	s0 =	sadd.s32 $0x8F2B, s0  }
0xce: {  	[sflag:s0] =	ssyncadd.remote.s32 $0x1  }
0xcf: {  	_ =	sfence.sel $0xFFFF  }
0xd0: {  	[dreg:$0x0] =	wrdreg $0xFFFFFFFF;
	(pc) =	sbr.abs _section_cstart, $3  }
0xd1: {  	[dreg:$0x1] =	wrdreg $0xFFFFFFFF  }
0xd2: {  	_ =	task.clear_ibuf [dreg:s22], $0x2FFFF;
	_ =	strace $0x9FFFFFFF  }
0xd3: {  	(tm) =	ssettm $0x7FFFFFFF  }
tec
execute0_lowered:
.L_overlay_start_1:
0x0: {  	(tag) =	ssettag $0x1  }
0x1: {  	s1 =	srdreg.scid;
	s0 =	stileid.u32  }
0x2: {  	s16 =	sand.u32 $0x1, s1;
	s29 =	sshll.u32 s0, $0x1  }
0x3: {  	s2 =	rddreg [dreg:$0x0];
	s17 =	sor.u32 s16, s29  }
0x4: {  	s4 =	rddreg [dreg:$0x1];
	s5 =	smul.u32 $0x1C0, s17  }
0x5: {  	s14 =	rddreg [dreg:$0x2]  }
0x6: {  	s3 =	simm.s32 $0x0;
	s1 =	rddreg [dreg:$0x3];
	s5 =	sshrl.u32 s5, $0x3  }
0x7: {  	[smem:$0x7FF] =	sst s3;
	s4 =	sadd.s32 s4, s5  }
0x8: {  	_ =	strace $0x8000004D;
	s5 =	simm.s32 $0x5;
	s4 =	sadd.s32 $0xE00, s4  }
0x9: {  	[tilespmem:s3], [sflag:$0x5] =	stream.linear.gather [hbm4b:s4+s3], $0x1C0, $0x38;
	[tilespmem:$0xE200] =	vst v63  }
0xa: {  	_ =	swait.ge [sflag:s5], $0x1C0  }
0xb: {  	[sflag:s5] =	ssyncset.done $0x0  }
0xc: {  	s6 =	simm.s32 $0x70;
	s7 =	simm.s32 $0x200;
	[sflag:s5] =	ssyncadd.s32 $0xFFFFFE40  }
0xd: {  	[tilespmem:s7], [sflag:$0x1] =	stream.indirect.gather [hbm4b:s2+s6], $0x80, s3, s6, $0xb8;
	[tilespmem:$0xE200] =	vst v63  }
0xe: {  	s8 =	simm.s32 $0x3A00  }
0xf: {  	[tilespmem:s8], [sflag:$0x1] =	stream.indirect.gather [hbm4b:s2+s6], $0x80, s6, s6, $0xb8;
	[tilespmem:$0xE200] =	vst v63  }
0x10: {  	s9 =	simm.s32 $0xE0;
	s10 =	simm.s32 $0x7200  }
0x11: {  	[tilespmem:s10], [sflag:$0x2] =	stream.indirect.gather [hbm4b:s2+s6], $0x80, s9, s6, $0xb8;
	[tilespmem:$0xE200] =	vst v63  }
0x12: {  	s11 =	simm.s32 $0x150;
	s12 =	simm.s32 $0xAA00;
	s13 =	simm.s32 $0x1  }
0x13: {  	[tilespmem:s12], [sflag:$0x2] =	stream.indirect.gather [hbm4b:s2+s6], $0x80, s11, s6, $0xb8;
	[tilespmem:$0xE200] =	vst v63  }
0x14: {  	_ =	swait.ge [sflag:s13], $0x3800  }
0x15: {  	[sflag:s13] =	ssyncset.done $0x0  }
0x16: {  	[sflag:s13] =	ssyncadd.s32 $0xFFFFC800  }
0x17: {  	s15 =	smul.u32 $0x1C00, s17;
	_ =	swait.ge [sflag:s13], $0x3800  }
0x18: {  	s18 =	sadd.s32 $0x75200, s14;
	[sflag:s13] =	ssyncset.done $0x0  }
0x19: {  	s14 =	sadd.s32 s18, s15;
	s15 =	simm.s32 $0x2;
	[sflag:s13] =	ssyncadd.s32 $0xFFFFC800  }
0x1a: {  	[hbm4b:s14+s3] =	stream.linear.scatter [tilespmem:s7], [sflag:$0x3], $0x7000, $0x38;
	[tilespmem:$0xE200] =	vst v63  }
0x1b: {  	s17 =	smul.u32 $0xE000, s17;
	_ =	swait.ge [sflag:s15], $0x3800  }
0x1c: {  	s19 =	ssub.s32 $0x2, s16;
	[sflag:s15] =	ssyncset.done $0x0  }
0x1d: {  	s31 =	sshrl.u32 s19, $0x1;
	s17 =	sshrl.u32 s17, $0x3;
	[sflag:s15] =	ssyncadd.s32 $0xFFFFC800  }
0x1e: {  	s30 =	sadd.s32 s18, s17;
	s18 =	ssub.s32 s19, s31;
	_ =	swait.ge [sflag:s15], $0x3800  }
0x1f: {  	s17 =	simm.s32 $0x3;
	s19 =	smax.u32 s18, $0x1;
	[sflag:s15] =	ssyncset.done $0x0  }
0x20: {  	s16 =	sadd.s32 $0xE00, s30;
	p0 =	sne.s32 s19, $0x1;
	[sflag:s15] =	ssyncadd.s32 $0xFFFFC800  }
0x21: {  	[hbm4b:s16+s3] =	stream.linear.scatter [tilespmem:s10], [sflag:$0x4], $0x7000, $0x38;
	[tilespmem:$0xE200] =	vst v63  }
.Ltmp0:
0x22: {  	_ =	swait.ge [sflag:s17], $0x7000;
	(pc) =	sbr.rel @!p0 .LBB2_2-.Ltmp0, $4  }
0x23: {  	[sflag:s17] =	ssyncset.done $0x0  }
0x24: {  	s18 =	simm.s32 $0x4;
	[sflag:s17] =	ssyncadd.s32 $0xFFFF9000  }
0x25: {  	_ =	swait.ge [sflag:s18], $0x7000  }
0x26: {  	s19 =	sadd.s32 $0xFFFFFFFF, s19;
	[sflag:s18] =	ssyncset.done $0x0  }
.LBB2_1:
0x27: {  	p0 =	sne.s32 s19, $0x1;
	s19 =	sadd.s32 $0xFFFFFFFF, s19;
	[sflag:s18] =	ssyncadd.s32 $0xFFFF9000  }
0x28: {  	[tilespmem:s3], [sflag:$0x5] =	stream.linear.gather [hbm4b:s4+s3], $0x1C0, $0x38;
	[tilespmem:$0xE200] =	vst v63  }
0x29: {  	_ =	swait.ge [sflag:s5], $0x1C0  }
0x2a: {  	[sflag:s5] =	ssyncset.done $0x0  }
0x2b: {  	[sflag:s5] =	ssyncadd.s32 $0xFFFFFE40  }
0x2c: {  	[tilespmem:s7], [sflag:$0x1] =	stream.indirect.gather [hbm4b:s2+s6], $0x80, s3, s6, $0xb8;
	[tilespmem:$0xE200] =	vst v63  }
0x2d: {  	_ = 	snop  }
0x2e: {  	[tilespmem:s8], [sflag:$0x1] =	stream.indirect.gather [hbm4b:s2+s6], $0x80, s6, s6, $0xb8;
	[tilespmem:$0xE200] =	vst v63  }
0x2f: {  	_ = 	snop  }
0x30: {  	[tilespmem:s10], [sflag:$0x2] =	stream.indirect.gather [hbm4b:s2+s6], $0x80, s9, s6, $0xb8;
	[tilespmem:$0xE200] =	vst v63  }
0x31: {  	_ = 	snop  }
0x32: {  	[tilespmem:s12], [sflag:$0x2] =	stream.indirect.gather [hbm4b:s2+s6], $0x80, s11, s6, $0xb8;
	[tilespmem:$0xE200] =	vst v63  }
0x33: {  	_ =	swait.ge [sflag:s13], $0x3800  }
0x34: {  	[sflag:s13] =	ssyncset.done $0x0  }
0x35: {  	[sflag:s13] =	ssyncadd.s32 $0xFFFFC800  }
0x36: {  	_ =	swait.ge [sflag:s13], $0x3800  }
0x37: {  	[sflag:s13] =	ssyncset.done $0x0  }
0x38: {  	[sflag:s13] =	ssyncadd.s32 $0xFFFFC800  }
0x39: {  	[hbm4b:s14+s3] =	stream.linear.scatter [tilespmem:s7], [sflag:$0x3], $0x7000, $0x38;
	[tilespmem:$0xE200] =	vst v63  }
0x3a: {  	_ =	swait.ge [sflag:s15], $0x3800  }
0x3b: {  	[sflag:s15] =	ssyncset.done $0x0  }
0x3c: {  	[sflag:s15] =	ssyncadd.s32 $0xFFFFC800  }
0x3d: {  	_ =	swait.ge [sflag:s15], $0x3800  }
0x3e: {  	[sflag:s15] =	ssyncset.done $0x0  }
0x3f: {  	[sflag:s15] =	ssyncadd.s32 $0xFFFFC800  }
0x40: {  	[hbm4b:s16+s3] =	stream.linear.scatter [tilespmem:s10], [sflag:$0x4], $0x7000, $0x38;
	[tilespmem:$0xE200] =	vst v63  }
.Ltmp1:
0x41: {  	_ =	swait.ge [sflag:s17], $0x7000;
	(pc) =	sbr.rel @p0 .LBB2_1-.Ltmp1, $4  }
0x42: {  	[sflag:s17] =	ssyncset.done $0x0  }
0x43: {  	[sflag:s17] =	ssyncadd.s32 $0xFFFF9000  }
0x44: {  	_ =	swait.ge [sflag:s18], $0x7000  }
0x45: {  	[sflag:s18] =	ssyncset.done $0x0  }
.LBB2_2:
0x46: {  	[sflag:s18] =	ssyncadd.s32 $0xFFFF9000  }
0x47: {  	_ =	sfence.sel $0x180000  }
0x48: {  	[bflag:$0x0] =	sbarrier.arrive $0xFFFF  }
0x49: {  	p0 =	sne.s32 s0, $0x0;
	_ =	strace $0x9000004D  }
0x4a: {  	s0 =	sadd.s32 @!p0 $0x100000, s1;
	[bflag:$0x2] =	sbarrier.arrive $0xFFFF  }
0x4b: {  	[sflag:s0] =	ssyncadd.tile.s32 @!p0 $0x1;
	_ =	shalt  }
.Lfunc_end2:
_tile_overlayer_lowered:
.L_overlay_start_2:
0x4c: {  	(tag) =	ssettag $0x2  }
0x4d: {  	s0 =	rddreg [dreg:$0x0];
	s2 =	stileid.u32  }
0x4e: {  	s1 =	rddreg [dreg:$0x1];
	p0 =	sne.s32 s2, $0x0  }
0x4f: {  	s3 =	rddreg [dreg:$0x2];
	[bflag:$0x3] =	sbarrier.arrive $0xFFFF;
	s2 =	simm.s32 @!p0 $0x1C05  }
0x50: {  	[timem:s3], [sflag:s2] =	dma.local @!p0 [hbm:s0], s1  }
0x51: {  	s0 =	simm.s32 @!p0 $0x5  }
0x52: {  	_ =	swait.ge @!p0 [sflag:s0], s1  }
0x53: {  	s1 =	ssub.s32 @!p0 $0x0, s1;
	[sflag:s0] =	ssyncset.done @!p0 $0x0  }
0x54: {  	[sflag:s0] =	ssyncadd.s32 @!p0 s1  }
0x55: {  	[bflag:$0x3] =	sbarrier.arrive $0xFFFF  }
0x56: {  	_ =	shalt  }

// kernel: kernel.19.cloned.1.call-start
scs
__scs_entry_jumppad:
0x0: {  	(pc) =	sbr.rel $0x88, $3  }
0x1: {  	(tag) =	ssettag $0x0;
	lr =	simm.s32 $0x1  }
0x2: {  	[smem:$0x3F88] =	sst lr;
	_ =	strace $0xD0000000  }
0x3: {  	_ = 	snop  }
0x4: {  	_ = 	snop  }
0x5: {  	_ = 	snop  }
0x6: {  	_ = 	snop  }
0x7: {  	_ = 	snop  }
__scs_overlays_trampoline_lowered:
0x8: {  	[smem:$0x3F97] =	sst s0  }
0x9: {  	[smem:$0x3F98] =	sst s1  }
0xa: {  	[smem:$0x3F99] =	sst s2  }
0xb: {  	[smem:$0x3F9A] =	sst s3  }
0xc: {  	[smem:$0x3F9B] =	sst s4  }
0xd: {  	[smem:$0x3F9C] =	sst s5  }
0xe: {  	[smem:$0x3F9D] =	sst s6  }
0xf: {  	[smem:$0x3F9E] =	sst s7  }
0x10: {  	[smem:$0x3F9F] =	sst s8  }
0x11: {  	[smem:$0x3FA0] =	sst s9;
	s0 =	simm.s32 @!p0 $0x0  }
0x12: {  	s1 =	sld [smem:$0x3F86];
	s0 =	simm.s32 @p0 $0x1  }
0x13: {  	[smem:$0x3FA1] =	sst s0;
	s0 =	simm.s32 @!p1 $0x0  }
0x14: {  	s2 =	sld [smem:$0x3F85];
	s0 =	simm.s32 @p1 $0x1  }
0x15: {  	[smem:$0x3FA2] =	sst s0;
	s0 =	simm.s32 @!p2 $0x0  }
0x16: {  	s3 =	sld [smem:$0x3FDB];
	s0 =	simm.s32 @p2 $0x1  }
0x17: {  	s4 =	simm.s32 $0x1BF5;
	[smem:$0x3FA4] =	sst s0  }
0x18: {  	s0 =	sld [smem:$0x3F87];
	_ =	swait.ge [sflag:s4], $0x0  }
0x19: {  	s7 =	sld [smem:$0x3F88]  }
0x1a: {  	s8 =	sadd.s32 $0xFFFFE003, lr  }
0x1b: {  	s9 =	sadd.s32 $0xFFFFFEF7, lr;
	s5 =	simm.s32 $0xFFFFFFFF;
	p2 =	slt.u32 s8, $0xFFFFF086  }
0x1c: {  	p1 =	slt.u32 s9, $0xF7A;
	s5 =	simm.s32 @!p2 $0x0  }
0x1d: {  	s5 =	simm.s32 @p1 $0x1;
	p0 =	seq.s32 s7, s2  }
0x1e: {  	s7 =	smul.u32 @!p0 $0xF7A, s2;
	p2 =	seq.s32 @!p0 s5, $0x0  }
0x1f: {  	s9 =	smul.u32 $0xF7A, s1;
	s8 =	simm.s32 @!p0 $0x1BF5;
	p2 =	por !p2, p0  }
0x20: {  	[sflag:s8] =	ssyncset.s32 @!p0 $0xFFFFF086;
	s6 =	sadd.s32 @!p0 s3, s7;
	s7 =	simm.s32 @!p0 $0x108  }
0x21: {  	s3 =	sadd.s32 s3, s9;
	s6 =	sadd.s32 @!p0 $0x88, s6;
	s7 =	simm.s32 @p2 $0x1082  }
0x22: {  	[simem:s7], [sflag:s8] =	dma.local @!p0 [hbm:s6], $0xF7A  }
0x23: {  	s9 =	sor.u32 $0xD0000000, s2;
	s6 =	simm.s32 $0x108;
	_ =	swait.ge @!p0 [sflag:s8], $0x0  }
0x24: {  	s3 =	sadd.s32 $0x88, s3;
	s6 =	simm.s32 @!p1 $0x1082;
	[sflag:s4] =	ssyncset.s32 $0xFFFFF086  }
0x25: {  	[simem:s6], [sflag:s4] =	dma.local [hbm:s3], $0xF7A  }
0x26: {  	[smem:$0x3F88] =	sst s1;
	(tag) =	ssettag s2;
	_ =	strace s9  }
0x27: {  	s1 =	sld [smem:$0x3F98]  }
0x28: {  	s2 =	sld [smem:$0x3F99]  }
0x29: {  	s4 =	sld [smem:$0x3F9B]  }
0x2a: {  	p0 =	seq.s32 s5, $0x0;
	s5 =	sld [smem:$0x3F9C]  }
0x2b: {  	s6 =	sld [smem:$0x3F9D]  }
0x2c: {  	s7 =	sld [smem:$0x3F9E]  }
0x2d: {  	s3 =	simm.s32 $0x108;
	s8 =	sld [smem:$0x3F9F]  }
0x2e: {  	s3 =	simm.s32 @!p0 $0x1082;
	s9 =	sld [smem:$0x3FA0]  }
0x2f: {  	lr =	sadd.s32 s0, s3;
	s0 =	sld [smem:$0x3F97]  }
0x30: {  	s3 =	sld [smem:$0x3F9A]  }
0x31: {  	[smem:$0x3FA3] =	sst s10  }
0x32: {  	s10 =	sld [smem:$0x3FA1];
	_ =	sdelay $0x3  }
0x33: {  	p0 =	seq.s32 s10, $0x1;
	s10 =	sld [smem:$0x3FA3];
	_ =	sdelay $0x3  }
0x34: {  	[smem:$0x3FA3] =	sst s10  }
0x35: {  	s10 =	sld [smem:$0x3FA2];
	_ =	sdelay $0x3  }
0x36: {  	p1 =	seq.s32 s10, $0x1;
	s10 =	sld [smem:$0x3FA3];
	_ =	sdelay $0x3  }
0x37: {  	[smem:$0x3FA3] =	sst s10  }
0x38: {  	s10 =	sld [smem:$0x3FA4]  }
0x39: {  	_ = 	snop;
	(pc) =	sbr.ind lr, $3  }
0x3a: {  	_ = 	snop  }
0x3b: {  	_ = 	snop  }
0x3c: {  	p2 =	seq.s32 s10, $0x1;
	s10 =	sld [smem:$0x3FA3]  }
0x3d: {  	_ =	shalt  }
0x3e: {  	_ =	shalt  }
0x3f: {  	_ =	shalt  }
0x40: {  	_ =	shalt  }
0x41: {  	_ =	shalt  }
0x42: {  	_ =	shalt  }
0x43: {  	_ =	shalt  }
0x44: {  	_ =	shalt  }
0x45: {  	_ =	shalt  }
0x46: {  	_ =	shalt  }
0x47: {  	_ =	shalt  }
0x48: {  	_ =	shalt  }
0x49: {  	_ =	shalt  }
0x4a: {  	_ =	shalt  }
0x4b: {  	_ =	shalt  }
0x4c: {  	_ =	shalt  }
0x4d: {  	_ =	shalt  }
0x4e: {  	_ =	shalt  }
0x4f: {  	_ =	shalt  }
0x50: {  	_ =	shalt  }
0x51: {  	_ =	shalt  }
0x52: {  	_ =	shalt  }
0x53: {  	_ =	shalt  }
0x54: {  	_ =	shalt  }
0x55: {  	_ =	shalt  }
0x56: {  	_ =	shalt  }
0x57: {  	_ =	shalt  }
0x58: {  	_ =	shalt  }
0x59: {  	_ =	shalt  }
0x5a: {  	_ =	shalt  }
0x5b: {  	_ =	shalt  }
0x5c: {  	_ =	shalt  }
0x5d: {  	_ =	shalt  }
0x5e: {  	_ =	shalt  }
0x5f: {  	_ =	shalt  }
0x60: {  	_ =	shalt  }
0x61: {  	_ =	shalt  }
0x62: {  	_ =	shalt  }
0x63: {  	_ =	shalt  }
0x64: {  	_ =	shalt  }
0x65: {  	_ =	shalt  }
0x66: {  	_ =	shalt  }
0x67: {  	_ =	shalt  }
0x68: {  	_ =	shalt  }
0x69: {  	_ =	shalt  }
0x6a: {  	_ =	shalt  }
0x6b: {  	_ =	shalt  }
0x6c: {  	_ =	shalt  }
0x6d: {  	_ =	shalt  }
0x6e: {  	_ =	shalt  }
0x6f: {  	_ =	shalt  }
0x70: {  	_ =	shalt  }
0x71: {  	_ =	shalt  }
0x72: {  	_ =	shalt  }
0x73: {  	_ =	shalt  }
0x74: {  	_ =	shalt  }
0x75: {  	_ =	shalt  }
0x76: {  	_ =	shalt  }
0x77: {  	_ =	shalt  }
0x78: {  	_ =	shalt  }
0x79: {  	_ =	shalt  }
0x7a: {  	_ =	shalt  }
0x7b: {  	_ =	shalt  }
0x7c: {  	_ =	shalt  }
0x7d: {  	_ =	shalt  }
0x7e: {  	_ =	shalt  }
0x7f: {  	_ =	shalt  }
0x80: {  	_ =	shalt  }
0x81: {  	_ =	shalt  }
0x82: {  	_ =	shalt  }
0x83: {  	_ =	shalt  }
0x84: {  	_ =	shalt  }
0x85: {  	_ =	shalt  }
0x86: {  	_ =	shalt  }
0x87: {  	_ =	shalt  }
.Lfunc_end0:
.L_simem_size_0:
called_computation.3_lowered:
.L_overlay_start_0:
0x88: {  	s2 =	sld [smem:$0x3FD9]  }
0x89: {  	s3 =	sld [smem:$0x3FFE];
	_ =	sdelay $0x1  }
0x8a: {  	s1 =	srdreg.scid  }
0x8b: {  	s0 =	sand.u32 $0x1, s1  }
0x8c: {  	s17 =	sshll.u32 s0, $0xA;
	s2 =	sadd.s32 s3, s2  }
0x8d: {  	s2 =	sadd.s32 s2, s17  }
0x8e: {  	[smem:$0x3FAF] =	sst s2  }
0x8f: {  	_ = 	snop  }
0x90: {  	s18 =	sld [smem:$0x3FBE];
	(tm) =	ssettm $0x1  }
0x91: {  	s19 =	sld [smem:$0x3FFB];
	_ =	sdelay $0x3  }
0x92: {  	_ =	strace s19  }
0x93: {  	s2 =	sld [smem:$0x3FFC];
	_ =	sdelay $0x3  }
0x94: {  	_ =	strace s2  }
0x95: {  	s2 =	sld [smem:$0x3FFD];
	_ =	sdelay $0x3  }
0x96: {  	_ =	strace s2  }
0x97: {  	_ =	strace $0x8FFFFFFF  }
0x98: {  	s20 =	sld [smem:$0x3FDB];
	_ =	sdelay $0x1  }
0x99: {  	s4 =	simm.s32 $_scs_section_size  }
0x9a: {  	s5 =	simm.s32 $_size__tile_overlayer_lowered;
	s6 =	simm.s32 $_tile_overlayer_lowered  }
0x9b: {  	s7 =	simm.s32 $0x1BFF;
	s21 =	sshll.u32 s6, $0x1;
	s4 =	sadd.s32 s4, s20  }
0x9c: {  	s22 =	simm.s32 $0x0;
	s5 =	sshll.u32 s5, $0x1;
	s6 =	sadd.s32 s21, s4  }
0x9d: {  	[timem:s22], [sflag:s7] =	dma.local [hbm:s6], s5  }
0x9e: {  	_ =	swait.ge [sflag:s7], s5  }
0x9f: {  	s5 =	ssub.s32 $0x0, s5;
	[sflag:s7] =	ssyncset.done $0x0  }
0xa0: {  	[sflag:s7] =	ssyncadd.s32 s5;
	_ =	sdelay $0x1  }
0xa1: {  	s23 =	simm.s32 $0x1B8B  }
0xa2: {  	_ =	swait.ge [sflag:s23], $0x1  }
0xa3: {  	[sflag:s23] =	ssyncset.done $0x0  }
0xa4: {  	[sflag:s23] =	ssyncadd.s32 $0xFFFFFFFF  }
0xa5: {  	s5 =	sld [smem:$0x0]  }
0xa6: {  	s6 =	sand.u32 $0xFFFFFFFE, s1  }
0xa7: {  	p0 =	sne.s32 s1, s6  }
0xa8: {  	s6 =	sshll.u32 @p0 s6, $0xE  }
0xa9: {  	s6 =	sadd.s32 @p0 $0x11B8D, s6;
	s7 =	sshll.u32 @p0 s5, $0x11  }
0xaa: {  	s6 =	sor.u32 @p0 s7, s6  }
0xab: {  	[sflag:s6] =	ssyncadd.remote.s32 @p0 $0x1;
	_ =	sdelay $0x1  }
0xac: {  	s6 =	simm.s32 @p0 $0x1B8D  }
0xad: {  	_ =	swait.eq @p0 [sflag:s6], $0x1  }
0xae: {  	[sflag:s6] =	ssyncadd.s32 @p0 $0xFFFFFFFF  }
0xaf: {  	s7 =	sshll.u32 @!p0 s1, $0xE  }
0xb0: {  	s7 =	sor.u32 @!p0 $0x4000, s7;
	s6 =	simm.s32 @!p0 $0x1B8D  }
0xb1: {  	s5 =	sshll.u32 @!p0 s5, $0x11;
	s7 =	sadd.s32 @!p0 $0x11B8D, s7;
	_ =	swait.eq @!p0 [sflag:s6], $0x1  }
0xb2: {  	s5 =	sor.u32 @!p0 s5, s7;
	[sflag:s6] =	ssyncadd.s32 @!p0 $0xFFFFFFFF  }
0xb3: {  	s25 =	simm.s32 $0x1B8E;
	s24 =	sld [smem:$0x3FFE];
	[sflag:s5] =	ssyncadd.remote.s32 @!p0 $0x1  }
0xb4: {  	s26 =	simm.s32 $execute0_lowered;
	[smem:$0x3FD2] =	sst s25  }
0xb5: {  	s6 =	sshll.u32 s26, $0x1;
	_ =	strace $0x8000004F;
	[dreg:$0x1] =	wrdreg $0xFFFFFFFF  }
0xb6: {  	s28 =	simm.s32 $_size_execute0_lowered;
	s4 =	sadd.s32 s4, s6;
	[dreg:$0x0] =	wrdreg $0x0  }
0xb7: {  	s6 =	sshll.u32 s28, $0x1;
	[dreg:$0x2] =	wrdreg s4  }
0xb8: {  	[dreg:$0x3] =	wrdreg s6  }
0xb9: {  	[dreg:$0x4] =	wrdreg $0xC0  }
0xba: {  	_ =	task [dreg:s22], $0x5FFFF  }
0xbb: {  	[dreg:$0x1] =	wrdreg $0xFFFFFFFF  }
0xbc: {  	[dreg:$0x0] =	wrdreg $0x60  }
0xbd: {  	[dreg:$0x2] =	wrdreg s18  }
0xbe: {  	[dreg:$0x3] =	wrdreg s24  }
0xbf: {  	[dreg:$0x4] =	wrdreg $0xC  }
0xc0: {  	_ =	task.clear_ibuf [dreg:s22], $0x5FFFF;
	_ =	strace $0x9000004F  }
0xc1: {  	s29 =	simm.s32 $0xC;
	_ =	strace $0x80000051  }
0xc2: {  	_ =	swait.ge [sflag:s29], $0x1  }
0xc3: {  	[sflag:s29] =	ssyncadd.s32 $0xFFFFFFFF  }
0xc4: {  	_ =	strace $0x90000051  }
0xc5: {  	_ =	sfence  }
0xc6: {  	s30 =	sld [smem:$0x0];
	_ =	sdelay $0x2  }
0xc7: {  	s31 =	sshll.u32 s1, $0xD;
	s1 =	sshrl.u32 s1, $0x2  }
0xc8: {  	s4 =	sand.u32 $0x4000, s31;
	s1 =	sadd.s32 s1, s30  }
0xc9: {  	s0 =	sor.u32 s4, s0;
	s1 =	sshll.u32 s1, $0x11  }
0xca: {  	s0 =	sor.u32 s1, s0  }
0xcb: {  	s0 =	sadd.s32 $0x8F2B, s0  }
0xcc: {  	[sflag:s0] =	ssyncadd.remote.s32 $0x1  }
0xcd: {  	_ =	sfence.sel $0xFFFF  }
0xce: {  	[dreg:$0x0] =	wrdreg $0xFFFFFFFF;
	(pc) =	sbr.abs _section_cstart, $3  }
0xcf: {  	[dreg:$0x1] =	wrdreg $0xFFFFFFFF  }
0xd0: {  	_ =	task.clear_ibuf [dreg:s22], $0x2FFFF;
	_ =	strace $0x9FFFFFFF  }
0xd1: {  	(tm) =	ssettm $0x7FFFFFFF  }
tec
execute0_lowered:
.L_overlay_start_1:
0x0: {  	(tag) =	ssettag $0x1  }
0x1: {  	s1 =	srdreg.scid;
	s0 =	stileid.u32  }
0x2: {  	s10 =	sand.u32 $0x1, s1;
	s30 =	sshll.u32 s0, $0x1  }
0x3: {  	s11 =	sor.u32 s10, s30  }
0x4: {  	s4 =	smul.u32 $0xE0, s11  }
0x5: {  	s2 =	rddreg [dreg:$0x0]  }
0x6: {  	s12 =	rddreg [dreg:$0x1];
	s3 =	simm.s32 $0x0;
	s4 =	sshrl.u32 s4, $0x3  }
0x7: {  	s5 =	simm.s32 $0x3;
	[smem:$0x7FF] =	sst s3;
	s4 =	sadd.s32 s12, s4  }
0x8: {  	s1 =	rddreg [dreg:$0x2];
	_ =	strace $0x80000050;
	s4 =	sadd.s32 $0xAE700, s4  }
0x9: {  	[tilespmem:s3], [sflag:$0x3] =	stream.linear.gather [hbm4b:s4+s3], $0xE0, $0x38;
	[tilespmem:$0x7100] =	vst v63  }
0xa: {  	_ =	swait.ge [sflag:s5], $0xE0  }
0xb: {  	s6 =	simm.s32 $0x70;
	[sflag:s5] =	ssyncset.done $0x0  }
0xc: {  	s7 =	simm.s32 $0x100;
	s8 =	simm.s32 $0x3900;
	[sflag:s5] =	ssyncadd.s32 $0xFFFFFF20  }
0xd: {  	[tilespmem:s7], [sflag:$0x1] =	stream.indirect.gather [hbm4b:s2+s6], $0x80, s3, s6, $0xb8;
	[tilespmem:$0x7100] =	vst v63  }
0xe: {  	s9 =	simm.s32 $0x1;
	s10 =	ssub.s32 $0x2, s10;
	s11 =	smul.u32 $0xE00, s11  }
0xf: {  	[tilespmem:s8], [sflag:$0x1] =	stream.indirect.gather [hbm4b:s2+s6], $0x80, s6, s6, $0xb8;
	[tilespmem:$0x7100] =	vst v63  }
0x10: {  	s31 =	sshrl.u32 s10, $0x1;
	_ =	swait.ge [sflag:s9], $0x3800  }
0x11: {  	s11 =	sadd.s32 s11, s12;
	s12 =	ssub.s32 s10, s31;
	[sflag:s9] =	ssyncset.done $0x0  }
0x12: {  	s12 =	smax.u32 s12, $0x1;
	[sflag:s9] =	ssyncadd.s32 $0xFFFFC800  }
0x13: {  	p0 =	sne.s32 s12, $0x1;
	_ =	swait.ge [sflag:s9], $0x3800  }
.Ltmp0:
0x14: {  	[sflag:s9] =	ssyncset.done $0x0;
	(pc) =	sbr.rel @!p0 .LBB2_2-.Ltmp0, $4  }
0x15: {  	s10 =	sadd.s32 $0xAEC00, s11;
	s11 =	simm.s32 $0x2;
	[sflag:s9] =	ssyncadd.s32 $0xFFFFC800  }
0x16: {  	[hbm4b:s10+s3] =	stream.linear.scatter [tilespmem:s7], [sflag:$0x2], $0x7000, $0x38;
	[tilespmem:$0x7100] =	vst v63  }
0x17: {  	_ =	swait.ge [sflag:s11], $0x7000  }
0x18: {  	s12 =	sadd.s32 $0xFFFFFFFF, s12;
	[sflag:s11] =	ssyncset.done $0x0  }
.LBB2_1:
0x19: {  	p0 =	sne.s32 s12, $0x1;
	s12 =	sadd.s32 $0xFFFFFFFF, s12;
	[sflag:s11] =	ssyncadd.s32 $0xFFFF9000  }
0x1a: {  	[tilespmem:s3], [sflag:$0x3] =	stream.linear.gather [hbm4b:s4+s3], $0xE0, $0x38;
	[tilespmem:$0x7100] =	vst v63  }
0x1b: {  	_ =	swait.ge [sflag:s5], $0xE0  }
0x1c: {  	[sflag:s5] =	ssyncset.done $0x0  }
0x1d: {  	[sflag:s5] =	ssyncadd.s32 $0xFFFFFF20  }
0x1e: {  	[tilespmem:s7], [sflag:$0x1] =	stream.indirect.gather [hbm4b:s2+s6], $0x80, s3, s6, $0xb8;
	[tilespmem:$0x7100] =	vst v63  }
0x1f: {  	_ = 	snop  }
0x20: {  	[tilespmem:s8], [sflag:$0x1] =	stream.indirect.gather [hbm4b:s2+s6], $0x80, s6, s6, $0xb8;
	[tilespmem:$0x7100] =	vst v63  }
0x21: {  	_ =	swait.ge [sflag:s9], $0x3800  }
0x22: {  	[sflag:s9] =	ssyncset.done $0x0  }
0x23: {  	[sflag:s9] =	ssyncadd.s32 $0xFFFFC800  }
0x24: {  	_ =	swait.ge [sflag:s9], $0x3800  }
.Ltmp1:
0x25: {  	[sflag:s9] =	ssyncset.done $0x0;
	(pc) =	sbr.rel @p0 .LBB2_1-.Ltmp1, $4  }
0x26: {  	[sflag:s9] =	ssyncadd.s32 $0xFFFFC800  }
0x27: {  	[hbm4b:s10+s3] =	stream.linear.scatter [tilespmem:s7], [sflag:$0x2], $0x7000, $0x38;
	[tilespmem:$0x7100] =	vst v63  }
0x28: {  	_ =	swait.ge [sflag:s11], $0x7000  }
0x29: {  	[sflag:s11] =	ssyncset.done $0x0  }
.LBB2_2:
0x2a: {  	[sflag:s11] =	ssyncadd.s32 $0xFFFF9000  }
0x2b: {  	_ =	sfence.sel $0x180000  }
0x2c: {  	[bflag:$0x0] =	sbarrier.arrive $0xFFFF  }
0x2d: {  	p0 =	sne.s32 s0, $0x0;
	_ =	strace $0x90000050  }
0x2e: {  	s0 =	sadd.s32 @!p0 $0x100000, s1;
	[bflag:$0x2] =	sbarrier.arrive $0xFFFF  }
0x2f: {  	[sflag:s0] =	ssyncadd.tile.s32 @!p0 $0x1;
	_ =	shalt  }
.Lfunc_end2:
_tile_overlayer_lowered:
.L_overlay_start_2:
0x30: {  	(tag) =	ssettag $0x2  }
0x31: {  	s0 =	rddreg [dreg:$0x0];
	s2 =	stileid.u32  }
0x32: {  	s1 =	rddreg [dreg:$0x1];
	p0 =	sne.s32 s2, $0x0  }
0x33: {  	s3 =	rddreg [dreg:$0x2];
	[bflag:$0x3] =	sbarrier.arrive $0xFFFF;
	s2 =	simm.s32 @!p0 $0x1C03  }
0x34: {  	[timem:s3], [sflag:s2] =	dma.local @!p0 [hbm:s0], s1  }
0x35: {  	s0 =	simm.s32 @!p0 $0x3  }
0x36: {  	_ =	swait.ge @!p0 [sflag:s0], s1  }
0x37: {  	s1 =	ssub.s32 @!p0 $0x0, s1;
	[sflag:s0] =	ssyncset.done @!p0 $0x0  }
0x38: {  	[sflag:s0] =	ssyncadd.s32 @!p0 s1  }
0x39: {  	[bflag:$0x3] =	sbarrier.arrive $0xFFFF  }
0x3a: {  	_ =	shalt  }

</sc_bundles>
